<compile_context>
chip_gen: v7x
topology: tpu7x:2x2x1
jax: 0.10.2.dev20260603
libtpu: 0.0.44.dev20260713+nightly
codegen_flags: <defaults>
</compile_context>

<pallas_src>
import functools

import jax
import jax.numpy as jnp
from jax import lax
from jax.experimental import pallas as pl
from jax.experimental.pallas import tpu as pltpu
from jax.experimental.pallas import tpu_sc as plsc

N_NODES = 10000
D = 128
N_EDGES = 320000

NC = 2
NS = 16
NW = NC * NS
N_PAD = 10240
RPT = N_PAD // NS
EPT = N_EDGES // NW
K = 80
CHUNKS = EPT // K
BLK = 512
GRID = N_PAD // BLK
DEGW = 128

@functools.lru_cache(maxsize=1)
def _sc_kernels():
    mesh = plsc.VectorSubcoreMesh(core_axis_name="c", subcore_axis_name="s")

    @functools.partial(
        pl.kernel,
        mesh=mesh,
        out_type=jax.ShapeDtypeStruct((NC, N_PAD, DEGW), jnp.float32),
        scratch_types=[
            pltpu.VMEM((CHUNKS, K), jnp.int32),
            pltpu.VMEM((K, DEGW), jnp.float32),
            pltpu.VMEM_SHARED((N_PAD, DEGW), jnp.float32),
        ],
    )
    def sc_degree(dst_hbm, ones_hbm, zeros1_hbm, out_hbm, dst_v, ones_v, accum):
        c = lax.axis_index("c")
        s = lax.axis_index("s")
        w = c * NS + s
        pltpu.sync_copy(zeros1_hbm, accum.at[pl.ds(s * RPT, RPT)])
        pltpu.sync_copy(dst_hbm.at[w], dst_v)
        pltpu.sync_copy(ones_hbm, ones_v)
        plsc.subcore_barrier()

        def body(i, carry):
            pltpu.sync_copy(ones_v, accum.at[dst_v.at[i]], add=True)
            return carry

        lax.fori_loop(0, CHUNKS, body, 0)
        plsc.subcore_barrier()
        pltpu.sync_copy(accum.at[pl.ds(s * RPT, RPT)],
                        out_hbm.at[c, pl.ds(s * RPT, RPT)])

    @functools.partial(
        pl.kernel,
        mesh=mesh,
        out_type=jax.ShapeDtypeStruct((NC, N_PAD, D), jnp.float32),
        scratch_types=[
            pltpu.VMEM((CHUNKS, K), jnp.int32),
            pltpu.VMEM((1, K), jnp.int32),
            pltpu.VMEM((1, K), jnp.int32),
            pltpu.VMEM((K, D), jnp.float32),
            pltpu.VMEM((K, D), jnp.float32),
            pltpu.VMEM_SHARED((N_PAD, D), jnp.float32),
            pltpu.SemaphoreType.DMA,
            pltpu.SemaphoreType.DMA,
            pltpu.SemaphoreType.DMA,
            pltpu.SemaphoreType.DMA,
            pltpu.SemaphoreType.DMA,
            pltpu.SemaphoreType.DMA,
            pltpu.SemaphoreType.DMA,
        ],
    )
    def sc_scatter(g_hbm, src_hbm, dst_hbm, zeros_hbm, out_hbm,
                   src_v, dbuf0, dbuf1, rows0, rows1, accum,
                   gsem0, gsem1, ssem0, ssem1, dsem0, dsem1, zsem):
        c = lax.axis_index("c")
        s = lax.axis_index("s")
        w = c * NS + s

        zc = pltpu.async_copy(zeros_hbm, accum.at[pl.ds(s * RPT, RPT)], zsem)
        sv = pltpu.async_copy(src_hbm.at[w], src_v, gsem1)
        pltpu.async_copy(dst_hbm.at[w, 0], dbuf0, dsem0)
        sv.wait()
        pltpu.async_copy(g_hbm.at[src_v.at[0]], rows0, gsem0)
        pltpu.async_copy(dst_hbm.at[w, 1], dbuf1, dsem1)
        zc.wait()
        plsc.subcore_barrier()

        def body(j, carry):
            e0 = 2 * j
            pltpu.make_async_copy(g_hbm.at[src_v.at[e0]], rows0, gsem0).wait()
            pltpu.make_async_copy(dst_hbm.at[w, e0], dbuf0, dsem0).wait()
            sc0 = pltpu.async_copy(rows0, accum.at[dbuf0.at[0]], ssem0,
                                   add=True)
            g1 = pltpu.async_copy(g_hbm.at[src_v.at[e0 + 1]], rows1, gsem1)
            sc0.wait()
            pltpu.async_copy(dst_hbm.at[w, e0 + 2], dbuf0, dsem0)
            g1.wait()
            pltpu.make_async_copy(dst_hbm.at[w, e0 + 1], dbuf1, dsem1).wait()
            sc1 = pltpu.async_copy(rows1, accum.at[dbuf1.at[0]], ssem1,
                                   add=True)
            pltpu.async_copy(g_hbm.at[src_v.at[e0 + 2]], rows0, gsem0)
            sc1.wait()
            e3 = jnp.minimum(e0 + 3, CHUNKS - 1)
            pltpu.async_copy(dst_hbm.at[w, e3], dbuf1, dsem1)
            return carry

        lax.fori_loop(0, (CHUNKS - 1) // 2, body, 0)
        pltpu.make_async_copy(
            g_hbm.at[src_v.at[CHUNKS - 1]], rows0, gsem0).wait()
        pltpu.make_async_copy(
            dst_hbm.at[w, CHUNKS - 1], dbuf0, dsem0).wait()
        pltpu.sync_copy(rows0, accum.at[dbuf0.at[0]], add=True)
        pltpu.make_async_copy(
            dst_hbm.at[w, CHUNKS - 1], dbuf1, dsem1).wait()
        plsc.subcore_barrier()
        pltpu.sync_copy(accum.at[pl.ds(s * RPT, RPT)],
                        out_hbm.at[c, pl.ds(s * RPT, RPT)])

    return sc_degree, sc_scatter


def _tc_norm_mm_body(x_ref, w_ref, deg_ref, g_ref, d_ref):
    deg = deg_ref[0][:, :1] + deg_ref[1][:, :1] + 1.0
    d = lax.rsqrt(deg)
    d_ref[...] = d
    g_ref[...] = jnp.dot(x_ref[...], w_ref[...],
                         preferred_element_type=jnp.float32) * d


def _tc_mid_body(s_ref, g1_ref, d_ref, b1_ref, w2_ref, g2_ref):
    d = d_ref[...]
    ssum = s_ref[0] + s_ref[1]
    out1 = jnp.maximum(d * (ssum + g1_ref[...]) + b1_ref[...], 0.0)
    g2_ref[...] = jnp.dot(out1, w2_ref[...],
                          preferred_element_type=jnp.float32) * d


def _tc_final_body(s_ref, g2_ref, d_ref, b2_ref, x_ref, o_ref):
    d = d_ref[...]
    ssum = s_ref[0] + s_ref[1]
    o_ref[...] = jnp.maximum(
        d * (ssum + g2_ref[...]) + b2_ref[...] + x_ref[...], 0.0)


_row_spec = pl.BlockSpec((BLK, D), lambda i: (i, 0))
_d_spec = pl.BlockSpec((BLK, 1), lambda i: (i, 0))
_part_spec = pl.BlockSpec((NC, BLK, D), lambda i: (0, i, 0))
_deg_spec = pl.BlockSpec((NC, BLK, DEGW), lambda i: (0, i, 0))
_w_spec = pl.BlockSpec((D, D), lambda i: (0, 0))
_b_spec = pl.BlockSpec((1, D), lambda i: (0, 0))

_tc_norm_mm = pl.pallas_call(
    _tc_norm_mm_body,
    grid=(GRID,),
    in_specs=[_row_spec, _w_spec, _deg_spec],
    out_specs=[_row_spec, _d_spec],
    out_shape=[
        jax.ShapeDtypeStruct((N_NODES, D), jnp.float32),
        jax.ShapeDtypeStruct((N_PAD, 1), jnp.float32),
    ],
)

_tc_mid = pl.pallas_call(
    _tc_mid_body,
    grid=(GRID,),
    in_specs=[_part_spec, _row_spec, _d_spec, _b_spec, _w_spec],
    out_specs=_row_spec,
    out_shape=jax.ShapeDtypeStruct((N_NODES, D), jnp.float32),
)

_tc_final = pl.pallas_call(
    _tc_final_body,
    grid=(GRID,),
    in_specs=[_part_spec, _row_spec, _d_spec, _b_spec, _row_spec],
    out_specs=_row_spec,
    out_shape=jax.ShapeDtypeStruct((N_NODES, D), jnp.float32),
)


@jax.jit
def kernel(x, edge_index, W1, b1, W2, b2):
    src = edge_index[0].astype(jnp.int32).reshape(NW, CHUNKS, K)
    dst = edge_index[1].astype(jnp.int32).reshape(NW, CHUNKS, K)
    dst4 = dst.reshape(NW, CHUNKS, 1, K)
    ones = jnp.ones((K, DEGW), jnp.float32)
    zeros = jnp.zeros((RPT, D), jnp.float32)
    zeros1 = zeros
    b1r = b1.reshape(1, D)
    b2r = b2.reshape(1, D)

    sc_degree, sc_scatter = _sc_kernels()
    deg_parts = sc_degree(dst, ones, zeros1)
    g1, d = _tc_norm_mm(x, W1, deg_parts)
    s1 = sc_scatter(g1, src, dst4, zeros)
    g2 = _tc_mid(s1, g1, d, b1r, W2)
    s2 = sc_scatter(g2, src, dst4, zeros)
    return _tc_final(s2, g2, d, b2r, x)

# --- scband reference (transcript-rebuilt; emitter-appended) ---
"""Pipeline reference for scband-residual-gcnblock-40535901339691 (READ-ONLY COPY).

The authoritative reference and input builder live on the scoring server;
editing this copy changes nothing except your own understanding.
"""

import jax, jax.numpy as jnp
import numpy as np

N_NODES = 10000
D = 128
N_EDGES = 320000


def _gcn_conv(x, edge_index, W, b):
    n = x.shape[0]
    src = edge_index[0]
    dst = edge_index[1]
    # add self loops (PyG gcn_norm default: add_self_loops=True, fill_value=1)
    loop = jnp.arange(n, dtype=edge_index.dtype)
    src = jnp.concatenate([src, loop])
    dst = jnp.concatenate([dst, loop])
    ew = jnp.ones(src.shape[0], dtype=x.dtype)
    # degree computed on target nodes
    deg = jnp.zeros(n, dtype=x.dtype).at[dst].add(ew)
    deg_inv_sqrt = jnp.where(deg > 0, 1.0 / jnp.sqrt(deg), 0.0)
    norm = deg_inv_sqrt[src] * ew * deg_inv_sqrt[dst]
    # linear transform then propagate
    h = x @ W
    msg = h[src] * norm[:, None]
    out = jnp.zeros((n, h.shape[1]), dtype=x.dtype).at[dst].add(msg)
    return out + b


def setup_inputs(seed: int = 0) -> dict:
    key = jax.random.key(seed)
    k_x, k_e, k_w1, k_w2 = jax.random.split(key, 4)
    x = jax.random.normal(k_x, (N_NODES, D), dtype=jnp.float32)
    edge_index = jax.random.randint(k_e, (2, N_EDGES), 0, N_NODES, dtype=jnp.int64)
    # glorot-style init for GCN weights
    s = 1.0 / np.sqrt(D)
    W1 = jax.random.uniform(k_w1, (D, D), dtype=jnp.float32, minval=-s, maxval=s)
    b1 = jnp.zeros((D,), dtype=jnp.float32)
    W2 = jax.random.uniform(k_w2, (D, D), dtype=jnp.float32, minval=-s, maxval=s)
    b2 = jnp.zeros((D,), dtype=jnp.float32)
    return {"x": x, "edge_index": edge_index, "W1": W1, "b1": b1, "W2": W2, "b2": b2}


def reference(x, edge_index, W1, b1, W2, b2):
    identity = x  # in_channels == out_channels -> projection is None
    out = jax.nn.relu(_gcn_conv(x, edge_index, W1, b1))
    out = _gcn_conv(out, edge_index, W2, b2)
    out = out + identity
    out = jax.nn.relu(out)
    return out

if __name__ == "__main__":
    import jax
    _d = setup_inputs()
    print(jax.jit(kernel)(*tuple(_d.values())))

</pallas_src>

<mosaic_0001>
#map = affine_map<(d0, d1) -> (0, 0)>
#map1 = affine_map<(d0, d1) -> (0, 0, 0)>
#map2 = affine_map<(d0, d1) -> (0, 0, 0, 0)>
module attributes {stable_mosaic.version = 14 : i64} {
  func.func @sc_scatter(%arg0: i32, %arg1: i32, %arg2: memref<10000x128xf32, #tpu.memory_space<hbm>>, %arg3: memref<32x125x80xi32, #tpu.memory_space<hbm>>, %arg4: memref<32x125x1x80xi32, #tpu.memory_space<hbm>>, %arg5: memref<640x128xf32, #tpu.memory_space<hbm>>, %arg6: memref<2x10240x128xf32, #tpu.memory_space<hbm>>, %arg7: memref<125x80xi32, #tpu.memory_space<vmem>>, %arg8: memref<1x80xi32, #tpu.memory_space<vmem>>, %arg9: memref<1x80xi32, #tpu.memory_space<vmem>>, %arg10: memref<80x128xf32, #tpu.memory_space<vmem>>, %arg11: memref<80x128xf32, #tpu.memory_space<vmem>>, %arg12: memref<10240x128xf32, #tpu.memory_space<vmem_shared>>, %arg13: memref<!tpu.dma_semaphore, #tpu.memory_space<semaphore_mem>>, %arg14: memref<!tpu.dma_semaphore, #tpu.memory_space<semaphore_mem>>, %arg15: memref<!tpu.dma_semaphore, #tpu.memory_space<semaphore_mem>>, %arg16: memref<!tpu.dma_semaphore, #tpu.memory_space<semaphore_mem>>, %arg17: memref<!tpu.dma_semaphore, #tpu.memory_space<semaphore_mem>>, %arg18: memref<!tpu.dma_semaphore, #tpu.memory_space<semaphore_mem>>, %arg19: memref<!tpu.dma_semaphore, #tpu.memory_space<semaphore_mem>>) attributes {dimension_semantics = [#tpu.dimension_semantics<core_parallel>, #tpu.dimension_semantics<subcore_parallel>], iteration_bounds = array<i64: 2, 16>, scalar_prefetch = 0 : i64, scratch_operands = 13 : i64, tpu.core_type = #tpu.core_type<sc_vector_subcore>, window_params = [{transform_indices = #map}, {transform_indices = #map1}, {transform_indices = #map2}, {transform_indices = #map}, {transform_indices = #map1}]} {
    %mul3A = arith.constant 16 : i32
    %mul3A_0 = arith.muli %arg0, %mul3A : i32
    %add3A = arith.addi %mul3A_0, %arg1 : i32
    %mul3A_1 = arith.constant 640 : i32
    %mul3A_2 = arith.muli %arg1, %mul3A_1 : i32
    %dma_start3A = arith.constant 0 : i32
    %dma_start3A_3 = tpu.memref_slice %arg12[%mul3A_2, %dma_start3A] : memref<10240x128xf32, #tpu.memory_space<vmem_shared>> -> memref<640x128xf32, #tpu.memory_space<vmem_shared>>
    tpu.enqueue_dma source(%arg5 : memref<640x128xf32, #tpu.memory_space<hbm>>) target(%dma_start3A_3 : memref<640x128xf32, #tpu.memory_space<vmem_shared>>) target_semaphore(%arg19 : memref<!tpu.dma_semaphore, #tpu.memory_space<semaphore_mem>>)
    %dma_start3A_4 = arith.constant 0 : i32
    %dma_start3A_5 = arith.constant 0 : i32
    %dma_start3A_6 = tpu.memref_slice %arg3[%add3A, %dma_start3A_4, %dma_start3A_5] : memref<32x125x80xi32, #tpu.memory_space<hbm>> -> memref<1x125x80xi32, #tpu.memory_space<hbm>>
    %dma_start3A_7 = tpu.memref_squeeze %dma_start3A_6 : memref<1x125x80xi32, #tpu.memory_space<hbm>> -> memref<125x80xi32, #tpu.memory_space<hbm>>
    %dma_start3A_8 = arith.constant 0 : i32
    %dma_start3A_9 = arith.constant 0 : i32
    %dma_start3A_10 = tpu.memref_slice %arg3[%add3A, %dma_start3A_8, %dma_start3A_9] : memref<32x125x80xi32, #tpu.memory_space<hbm>> -> memref<1x125x80xi32, #tpu.memory_space<hbm>>
    %dma_start3A_11 = tpu.memref_squeeze %dma_start3A_10 : memref<1x125x80xi32, #tpu.memory_space<hbm>> -> memref<125x80xi32, #tpu.memory_space<hbm>>
    tpu.enqueue_dma source(%dma_start3A_11 : memref<125x80xi32, #tpu.memory_space<hbm>>) target(%arg7 : memref<125x80xi32, #tpu.memory_space<vmem>>) target_semaphore(%arg14 : memref<!tpu.dma_semaphore, #tpu.memory_space<semaphore_mem>>)
    %dma_start3A_12 = arith.constant 0 : i32
    %dma_start3A_13 = arith.constant 0 : i32
    %dma_start3A_14 = arith.constant 0 : i32
    %dma_start3A_15 = tpu.memref_slice %arg4[%add3A, %dma_start3A_12, %dma_start3A_13, %dma_start3A_14] : memref<32x125x1x80xi32, #tpu.memory_space<hbm>> -> memref<1x1x1x80xi32, #tpu.memory_space<hbm>>
    %dma_start3A_16 = tpu.memref_squeeze %dma_start3A_15 : memref<1x1x1x80xi32, #tpu.memory_space<hbm>> -> memref<1x80xi32, #tpu.memory_space<hbm>>
    %dma_start3A_17 = arith.constant 0 : i32
    %dma_start3A_18 = arith.constant 0 : i32
    %dma_start3A_19 = tpu.memref_slice %arg4[%add3A, %dma_start3A_12, %dma_start3A_17, %dma_start3A_18] : memref<32x125x1x80xi32, #tpu.memory_space<hbm>> -> memref<1x1x1x80xi32, #tpu.memory_space<hbm>>
    %dma_start3A_20 = tpu.memref_squeeze %dma_start3A_19 : memref<1x1x1x80xi32, #tpu.memory_space<hbm>> -> memref<1x80xi32, #tpu.memory_space<hbm>>
    tpu.enqueue_dma source(%dma_start3A_20 : memref<1x80xi32, #tpu.memory_space<hbm>>) target(%arg8 : memref<1x80xi32, #tpu.memory_space<vmem>>) target_semaphore(%arg17 : memref<!tpu.dma_semaphore, #tpu.memory_space<semaphore_mem>>)
    %dma_wait3A = arith.constant 0 : i32
    %dma_wait3A_21 = arith.constant 0 : i32
    %dma_wait3A_22 = tpu.memref_slice %arg3[%add3A, %dma_wait3A, %dma_wait3A_21] : memref<32x125x80xi32, #tpu.memory_space<hbm>> -> memref<1x125x80xi32, #tpu.memory_space<hbm>>
    %dma_wait3A_23 = tpu.memref_squeeze %dma_wait3A_22 : memref<1x125x80xi32, #tpu.memory_space<hbm>> -> memref<125x80xi32, #tpu.memory_space<hbm>>
    %dma_wait3A_24 = arith.constant 0 : i32
    %dma_wait3A_25 = arith.constant 0 : i32
    %dma_wait3A_26 = tpu.memref_slice %arg3[%add3A, %dma_wait3A_24, %dma_wait3A_25] : memref<32x125x80xi32, #tpu.memory_space<hbm>> -> memref<1x125x80xi32, #tpu.memory_space<hbm>>
    %dma_wait3A_27 = tpu.memref_squeeze %dma_wait3A_26 : memref<1x125x80xi32, #tpu.memory_space<hbm>> -> memref<125x80xi32, #tpu.memory_space<hbm>>
    tpu.wait_dma2 semaphore(%arg14 : memref<!tpu.dma_semaphore, #tpu.memory_space<semaphore_mem>>) src(%dma_wait3A_27 : memref<125x80xi32, #tpu.memory_space<hbm>>) dst(%arg7 : memref<125x80xi32, #tpu.memory_space<vmem>>)
    %dma_start3A_28 = arith.constant 0 : i32
    %dma_start3A_29 = arith.constant 0 : i32
    %dma_start3A_30 = tpu.memref_slice %arg7[%dma_start3A_28, %dma_start3A_29] : memref<125x80xi32, #tpu.memory_space<vmem>> -> memref<1x80xi32, #tpu.memory_space<vmem>>
    %dma_start3A_31 = tpu.memref_squeeze %dma_start3A_30 : memref<1x80xi32, #tpu.memory_space<vmem>> -> memref<80xi32, #tpu.memory_space<vmem>>
    %dma_start3A_32 = arith.constant 0 : i32
    %dma_start3A_33 = arith.constant 0 : i32
    %dma_start3A_34 = tpu.memref_slice %arg2[%dma_start3A_32, %dma_start3A_33] : memref<10000x128xf32, #tpu.memory_space<hbm>> -> memref<10000x128xf32, #tpu.memory_space<hbm>>
    tpu.enqueue_indirect_dma source(%dma_start3A_34 : memref<10000x128xf32, #tpu.memory_space<hbm>>) target(%arg10 : memref<80x128xf32, #tpu.memory_space<vmem>>) offsets(%dma_start3A_31 : memref<80xi32, #tpu.memory_space<vmem>>) semaphore(%arg13 : memref<!tpu.dma_semaphore, #tpu.memory_space<semaphore_mem>>)
    %dma_start3A_35 = arith.constant 1 : i32
    %dma_start3A_36 = arith.constant 0 : i32
    %dma_start3A_37 = arith.constant 0 : i32
    %dma_start3A_38 = tpu.memref_slice %arg4[%add3A, %dma_start3A_35, %dma_start3A_36, %dma_start3A_37] : memref<32x125x1x80xi32, #tpu.memory_space<hbm>> -> memref<1x1x1x80xi32, #tpu.memory_space<hbm>>
    %dma_start3A_39 = tpu.memref_squeeze %dma_start3A_38 : memref<1x1x1x80xi32, #tpu.memory_space<hbm>> -> memref<1x80xi32, #tpu.memory_space<hbm>>
    %dma_start3A_40 = arith.constant 0 : i32
    %dma_start3A_41 = arith.constant 0 : i32
    %dma_start3A_42 = tpu.memref_slice %arg4[%add3A, %dma_start3A_35, %dma_start3A_40, %dma_start3A_41] : memref<32x125x1x80xi32, #tpu.memory_space<hbm>> -> memref<1x1x1x80xi32, #tpu.memory_space<hbm>>
    %dma_start3A_43 = tpu.memref_squeeze %dma_start3A_42 : memref<1x1x1x80xi32, #tpu.memory_space<hbm>> -> memref<1x80xi32, #tpu.memory_space<hbm>>
    tpu.enqueue_dma source(%dma_start3A_43 : memref<1x80xi32, #tpu.memory_space<hbm>>) target(%arg9 : memref<1x80xi32, #tpu.memory_space<vmem>>) target_semaphore(%arg18 : memref<!tpu.dma_semaphore, #tpu.memory_space<semaphore_mem>>)
    %dma_wait3A_44 = arith.constant 0 : i32
    %dma_wait3A_45 = tpu.memref_slice %arg12[%mul3A_2, %dma_wait3A_44] : memref<10240x128xf32, #tpu.memory_space<vmem_shared>> -> memref<640x128xf32, #tpu.memory_space<vmem_shared>>
    tpu.wait_dma2 semaphore(%arg19 : memref<!tpu.dma_semaphore, #tpu.memory_space<semaphore_mem>>) src(%arg5 : memref<640x128xf32, #tpu.memory_space<hbm>>) dst(%dma_wait3A_45 : memref<640x128xf32, #tpu.memory_space<vmem_shared>>)
    %barrier3A = arith.constant 0 : index
    tpu.barrier barrier_id(%barrier3A)
    %scan3A = arith.constant 0 : i32
    %scan3A_46 = arith.constant 0 : i32
    %scan3A_47 = arith.constant 62 : i32
    %scan3A_48 = arith.addi %scan3A_46, %scan3A_47 : i32
    %scan3A_49 = arith.constant 1 : i32
    scf.for %scan3A_81 = %scan3A_46 to %scan3A_48 step %scan3A_49  : i32 {
      %mul3A_82 = arith.constant 2 : i32
      %mul3A_83 = arith.muli %mul3A_82, %scan3A_81 : i32
      %dma_wait3A_84 = arith.constant 0 : i32
      %dma_wait3A_85 = tpu.memref_slice %arg7[%mul3A_83, %dma_wait3A_84] : memref<125x80xi32, #tpu.memory_space<vmem>> -> memref<1x80xi32, #tpu.memory_space<vmem>>
      %dma_wait3A_86 = tpu.memref_squeeze %dma_wait3A_85 : memref<1x80xi32, #tpu.memory_space<vmem>> -> memref<80xi32, #tpu.memory_space<vmem>>
      %dma_wait3A_87 = arith.constant 0 : i32
      %dma_wait3A_88 = arith.constant 0 : i32
      %dma_wait3A_89 = tpu.memref_slice %arg2[%dma_wait3A_87, %dma_wait3A_88] : memref<10000x128xf32, #tpu.memory_space<hbm>> -> memref<10000x128xf32, #tpu.memory_space<hbm>>
      tpu.wait_indirect_dma semaphore(%arg13 : memref<!tpu.dma_semaphore, #tpu.memory_space<semaphore_mem>>) src(%dma_wait3A_89 : memref<10000x128xf32, #tpu.memory_space<hbm>>) dst(%arg10 : memref<80x128xf32, #tpu.memory_space<vmem>>)
      %dma_wait3A_90 = arith.constant 0 : i32
      %dma_wait3A_91 = arith.constant 0 : i32
      %dma_wait3A_92 = tpu.memref_slice %arg4[%add3A, %mul3A_83, %dma_wait3A_90, %dma_wait3A_91] : memref<32x125x1x80xi32, #tpu.memory_space<hbm>> -> memref<1x1x1x80xi32, #tpu.memory_space<hbm>>
      %dma_wait3A_93 = tpu.memref_squeeze %dma_wait3A_92 : memref<1x1x1x80xi32, #tpu.memory_space<hbm>> -> memref<1x80xi32, #tpu.memory_space<hbm>>
      %dma_wait3A_94 = arith.constant 0 : i32
      %dma_wait3A_95 = arith.constant 0 : i32
      %dma_wait3A_96 = tpu.memref_slice %arg4[%add3A, %mul3A_83, %dma_wait3A_94, %dma_wait3A_95] : memref<32x125x1x80xi32, #tpu.memory_space<hbm>> -> memref<1x1x1x80xi32, #tpu.memory_space<hbm>>
      %dma_wait3A_97 = tpu.memref_squeeze %dma_wait3A_96 : memref<1x1x1x80xi32, #tpu.memory_space<hbm>> -> memref<1x80xi32, #tpu.memory_space<hbm>>
      tpu.wait_dma2 semaphore(%arg17 : memref<!tpu.dma_semaphore, #tpu.memory_space<semaphore_mem>>) src(%dma_wait3A_97 : memref<1x80xi32, #tpu.memory_space<hbm>>) dst(%arg8 : memref<1x80xi32, #tpu.memory_space<vmem>>)
      %dma_start3A_98 = arith.constant 0 : i32
      %dma_start3A_99 = arith.constant 0 : i32
      %dma_start3A_100 = tpu.memref_slice %arg8[%dma_start3A_98, %dma_start3A_99] : memref<1x80xi32, #tpu.memory_space<vmem>> -> memref<1x80xi32, #tpu.memory_space<vmem>>
      %dma_start3A_101 = tpu.memref_squeeze %dma_start3A_100 : memref<1x80xi32, #tpu.memory_space<vmem>> -> memref<80xi32, #tpu.memory_space<vmem>>
      %dma_start3A_102 = arith.constant 0 : i32
      %dma_start3A_103 = arith.constant 0 : i32
      %dma_start3A_104 = tpu.memref_slice %arg12[%dma_start3A_102, %dma_start3A_103] : memref<10240x128xf32, #tpu.memory_space<vmem_shared>> -> memref<10240x128xf32, #tpu.memory_space<vmem_shared>>
      tpu.enqueue_indirect_dma source(%arg10 : memref<80x128xf32, #tpu.memory_space<vmem>>) target(%dma_start3A_104 : memref<10240x128xf32, #tpu.memory_space<vmem_shared>>) offsets(%dma_start3A_101 : memref<80xi32, #tpu.memory_space<vmem>>) semaphore(%arg15 : memref<!tpu.dma_semaphore, #tpu.memory_space<semaphore_mem>>) {add = true}
      %add3A_105 = arith.constant 1 : i32
      %add3A_106 = arith.addi %mul3A_83, %add3A_105 : i32
      %dma_start3A_107 = arith.constant 0 : i32
      %dma_start3A_108 = tpu.memref_slice %arg7[%add3A_106, %dma_start3A_107] : memref<125x80xi32, #tpu.memory_space<vmem>> -> memref<1x80xi32, #tpu.memory_space<vmem>>
      %dma_start3A_109 = tpu.memref_squeeze %dma_start3A_108 : memref<1x80xi32, #tpu.memory_space<vmem>> -> memref<80xi32, #tpu.memory_space<vmem>>
      %dma_start3A_110 = arith.constant 0 : i32
      %dma_start3A_111 = arith.constant 0 : i32
      %dma_start3A_112 = tpu.memref_slice %arg2[%dma_start3A_110, %dma_start3A_111] : memref<10000x128xf32, #tpu.memory_space<hbm>> -> memref<10000x128xf32, #tpu.memory_space<hbm>>
      tpu.enqueue_indirect_dma source(%dma_start3A_112 : memref<10000x128xf32, #tpu.memory_space<hbm>>) target(%arg11 : memref<80x128xf32, #tpu.memory_space<vmem>>) offsets(%dma_start3A_109 : memref<80xi32, #tpu.memory_space<vmem>>) semaphore(%arg14 : memref<!tpu.dma_semaphore, #tpu.memory_space<semaphore_mem>>)
      %dma_wait3A_113 = arith.constant 0 : i32
      %dma_wait3A_114 = arith.constant 0 : i32
      %dma_wait3A_115 = tpu.memref_slice %arg8[%dma_wait3A_113, %dma_wait3A_114] : memref<1x80xi32, #tpu.memory_space<vmem>> -> memref<1x80xi32, #tpu.memory_space<vmem>>
      %dma_wait3A_116 = tpu.memref_squeeze %dma_wait3A_115 : memref<1x80xi32, #tpu.memory_space<vmem>> -> memref<80xi32, #tpu.memory_space<vmem>>
      %dma_wait3A_117 = arith.constant 0 : i32
      %dma_wait3A_118 = arith.constant 0 : i32
      %dma_wait3A_119 = tpu.memref_slice %arg12[%dma_wait3A_117, %dma_wait3A_118] : memref<10240x128xf32, #tpu.memory_space<vmem_shared>> -> memref<10240x128xf32, #tpu.memory_space<vmem_shared>>
      tpu.wait_indirect_dma semaphore(%arg15 : memref<!tpu.dma_semaphore, #tpu.memory_space<semaphore_mem>>) src(%arg10 : memref<80x128xf32, #tpu.memory_space<vmem>>) dst(%dma_wait3A_119 : memref<10240x128xf32, #tpu.memory_space<vmem_shared>>)
      %add3A_120 = arith.constant 2 : i32
      %add3A_121 = arith.addi %mul3A_83, %add3A_120 : i32
      %dma_start3A_122 = arith.constant 0 : i32
      %dma_start3A_123 = arith.constant 0 : i32
      %dma_start3A_124 = tpu.memref_slice %arg4[%add3A, %add3A_121, %dma_start3A_122, %dma_start3A_123] : memref<32x125x1x80xi32, #tpu.memory_space<hbm>> -> memref<1x1x1x80xi32, #tpu.memory_space<hbm>>
      %dma_start3A_125 = tpu.memref_squeeze %dma_start3A_124 : memref<1x1x1x80xi32, #tpu.memory_space<hbm>> -> memref<1x80xi32, #tpu.memory_space<hbm>>
      %dma_start3A_126 = arith.constant 0 : i32
      %dma_start3A_127 = arith.constant 0 : i32
      %dma_start3A_128 = tpu.memref_slice %arg4[%add3A, %add3A_121, %dma_start3A_126, %dma_start3A_127] : memref<32x125x1x80xi32, #tpu.memory_space<hbm>> -> memref<1x1x1x80xi32, #tpu.memory_space<hbm>>
      %dma_start3A_129 = tpu.memref_squeeze %dma_start3A_128 : memref<1x1x1x80xi32, #tpu.memory_space<hbm>> -> memref<1x80xi32, #tpu.memory_space<hbm>>
      tpu.enqueue_dma source(%dma_start3A_129 : memref<1x80xi32, #tpu.memory_space<hbm>>) target(%arg8 : memref<1x80xi32, #tpu.memory_space<vmem>>) target_semaphore(%arg17 : memref<!tpu.dma_semaphore, #tpu.memory_space<semaphore_mem>>)
      %dma_wait3A_130 = arith.constant 0 : i32
      %dma_wait3A_131 = tpu.memref_slice %arg7[%add3A_106, %dma_wait3A_130] : memref<125x80xi32, #tpu.memory_space<vmem>> -> memref<1x80xi32, #tpu.memory_space<vmem>>
      %dma_wait3A_132 = tpu.memref_squeeze %dma_wait3A_131 : memref<1x80xi32, #tpu.memory_space<vmem>> -> memref<80xi32, #tpu.memory_space<vmem>>
      %dma_wait3A_133 = arith.constant 0 : i32
      %dma_wait3A_134 = arith.constant 0 : i32
      %dma_wait3A_135 = tpu.memref_slice %arg2[%dma_wait3A_133, %dma_wait3A_134] : memref<10000x128xf32, #tpu.memory_space<hbm>> -> memref<10000x128xf32, #tpu.memory_space<hbm>>
      tpu.wait_indirect_dma semaphore(%arg14 : memref<!tpu.dma_semaphore, #tpu.memory_space<semaphore_mem>>) src(%dma_wait3A_135 : memref<10000x128xf32, #tpu.memory_space<hbm>>) dst(%arg11 : memref<80x128xf32, #tpu.memory_space<vmem>>)
      %add3A_136 = arith.constant 1 : i32
      %add3A_137 = arith.addi %mul3A_83, %add3A_136 : i32
      %dma_wait3A_138 = arith.constant 0 : i32
      %dma_wait3A_139 = arith.constant 0 : i32
      %dma_wait3A_140 = tpu.memref_slice %arg4[%add3A, %add3A_137, %dma_wait3A_138, %dma_wait3A_139] : memref<32x125x1x80xi32, #tpu.memory_space<hbm>> -> memref<1x1x1x80xi32, #tpu.memory_space<hbm>>
      %dma_wait3A_141 = tpu.memref_squeeze %dma_wait3A_140 : memref<1x1x1x80xi32, #tpu.memory_space<hbm>> -> memref<1x80xi32, #tpu.memory_space<hbm>>
      %dma_wait3A_142 = arith.constant 0 : i32
      %dma_wait3A_143 = arith.constant 0 : i32
      %dma_wait3A_144 = tpu.memref_slice %arg4[%add3A, %add3A_137, %dma_wait3A_142, %dma_wait3A_143] : memref<32x125x1x80xi32, #tpu.memory_space<hbm>> -> memref<1x1x1x80xi32, #tpu.memory_space<hbm>>
      %dma_wait3A_145 = tpu.memref_squeeze %dma_wait3A_144 : memref<1x1x1x80xi32, #tpu.memory_space<hbm>> -> memref<1x80xi32, #tpu.memory_space<hbm>>
      tpu.wait_dma2 semaphore(%arg18 : memref<!tpu.dma_semaphore, #tpu.memory_space<semaphore_mem>>) src(%dma_wait3A_145 : memref<1x80xi32, #tpu.memory_space<hbm>>) dst(%arg9 : memref<1x80xi32, #tpu.memory_space<vmem>>)
      %dma_start3A_146 = arith.constant 0 : i32
      %dma_start3A_147 = arith.constant 0 : i32
      %dma_start3A_148 = tpu.memref_slice %arg9[%dma_start3A_146, %dma_start3A_147] : memref<1x80xi32, #tpu.memory_space<vmem>> -> memref<1x80xi32, #tpu.memory_space<vmem>>
      %dma_start3A_149 = tpu.memref_squeeze %dma_start3A_148 : memref<1x80xi32, #tpu.memory_space<vmem>> -> memref<80xi32, #tpu.memory_space<vmem>>
      %dma_start3A_150 = arith.constant 0 : i32
      %dma_start3A_151 = arith.constant 0 : i32
      %dma_start3A_152 = tpu.memref_slice %arg12[%dma_start3A_150, %dma_start3A_151] : memref<10240x128xf32, #tpu.memory_space<vmem_shared>> -> memref<10240x128xf32, #tpu.memory_space<vmem_shared>>
      tpu.enqueue_indirect_dma source(%arg11 : memref<80x128xf32, #tpu.memory_space<vmem>>) target(%dma_start3A_152 : memref<10240x128xf32, #tpu.memory_space<vmem_shared>>) offsets(%dma_start3A_149 : memref<80xi32, #tpu.memory_space<vmem>>) semaphore(%arg16 : memref<!tpu.dma_semaphore, #tpu.memory_space<semaphore_mem>>) {add = true}
      %add3A_153 = arith.constant 2 : i32
      %add3A_154 = arith.addi %mul3A_83, %add3A_153 : i32
      %dma_start3A_155 = arith.constant 0 : i32
      %dma_start3A_156 = tpu.memref_slice %arg7[%add3A_154, %dma_start3A_155] : memref<125x80xi32, #tpu.memory_space<vmem>> -> memref<1x80xi32, #tpu.memory_space<vmem>>
      %dma_start3A_157 = tpu.memref_squeeze %dma_start3A_156 : memref<1x80xi32, #tpu.memory_space<vmem>> -> memref<80xi32, #tpu.memory_space<vmem>>
      %dma_start3A_158 = arith.constant 0 : i32
      %dma_start3A_159 = arith.constant 0 : i32
      %dma_start3A_160 = tpu.memref_slice %arg2[%dma_start3A_158, %dma_start3A_159] : memref<10000x128xf32, #tpu.memory_space<hbm>> -> memref<10000x128xf32, #tpu.memory_space<hbm>>
      tpu.enqueue_indirect_dma source(%dma_start3A_160 : memref<10000x128xf32, #tpu.memory_space<hbm>>) target(%arg10 : memref<80x128xf32, #tpu.memory_space<vmem>>) offsets(%dma_start3A_157 : memref<80xi32, #tpu.memory_space<vmem>>) semaphore(%arg13 : memref<!tpu.dma_semaphore, #tpu.memory_space<semaphore_mem>>)
      %dma_wait3A_161 = arith.constant 0 : i32
      %dma_wait3A_162 = arith.constant 0 : i32
      %dma_wait3A_163 = tpu.memref_slice %arg9[%dma_wait3A_161, %dma_wait3A_162] : memref<1x80xi32, #tpu.memory_space<vmem>> -> memref<1x80xi32, #tpu.memory_space<vmem>>
      %dma_wait3A_164 = tpu.memref_squeeze %dma_wait3A_163 : memref<1x80xi32, #tpu.memory_space<vmem>> -> memref<80xi32, #tpu.memory_space<vmem>>
      %dma_wait3A_165 = arith.constant 0 : i32
      %dma_wait3A_166 = arith.constant 0 : i32
      %dma_wait3A_167 = tpu.memref_slice %arg12[%dma_wait3A_165, %dma_wait3A_166] : memref<10240x128xf32, #tpu.memory_space<vmem_shared>> -> memref<10240x128xf32, #tpu.memory_space<vmem_shared>>
      tpu.wait_indirect_dma semaphore(%arg16 : memref<!tpu.dma_semaphore, #tpu.memory_space<semaphore_mem>>) src(%arg11 : memref<80x128xf32, #tpu.memory_space<vmem>>) dst(%dma_wait3A_167 : memref<10240x128xf32, #tpu.memory_space<vmem_shared>>)
      %add3A_168 = arith.constant 3 : i32
      %add3A_169 = arith.addi %mul3A_83, %add3A_168 : i32
      %min3A = arith.constant 124 : i32
      %min3A_170 = arith.minsi %add3A_169, %min3A : i32
      %dma_start3A_171 = arith.constant 0 : i32
      %dma_start3A_172 = arith.constant 0 : i32
      %dma_start3A_173 = tpu.memref_slice %arg4[%add3A, %min3A_170, %dma_start3A_171, %dma_start3A_172] : memref<32x125x1x80xi32, #tpu.memory_space<hbm>> -> memref<1x1x1x80xi32, #tpu.memory_space<hbm>>
      %dma_start3A_174 = tpu.memref_squeeze %dma_start3A_173 : memref<1x1x1x80xi32, #tpu.memory_space<hbm>> -> memref<1x80xi32, #tpu.memory_space<hbm>>
      %dma_start3A_175 = arith.constant 0 : i32
      %dma_start3A_176 = arith.constant 0 : i32
      %dma_start3A_177 = tpu.memref_slice %arg4[%add3A, %min3A_170, %dma_start3A_175, %dma_start3A_176] : memref<32x125x1x80xi32, #tpu.memory_space<hbm>> -> memref<1x1x1x80xi32, #tpu.memory_space<hbm>>
      %dma_start3A_178 = tpu.memref_squeeze %dma_start3A_177 : memref<1x1x1x80xi32, #tpu.memory_space<hbm>> -> memref<1x80xi32, #tpu.memory_space<hbm>>
      tpu.enqueue_dma source(%dma_start3A_178 : memref<1x80xi32, #tpu.memory_space<hbm>>) target(%arg9 : memref<1x80xi32, #tpu.memory_space<vmem>>) target_semaphore(%arg18 : memref<!tpu.dma_semaphore, #tpu.memory_space<semaphore_mem>>)
    }
    %scan3A_50 = arith.constant 62 : i32
    %dma_wait3A_51 = arith.constant 124 : i32
    %dma_wait3A_52 = arith.constant 0 : i32
    %dma_wait3A_53 = tpu.memref_slice %arg7[%dma_wait3A_51, %dma_wait3A_52] : memref<125x80xi32, #tpu.memory_space<vmem>> -> memref<1x80xi32, #tpu.memory_space<vmem>>
    %dma_wait3A_54 = tpu.memref_squeeze %dma_wait3A_53 : memref<1x80xi32, #tpu.memory_space<vmem>> -> memref<80xi32, #tpu.memory_space<vmem>>
    %dma_wait3A_55 = arith.constant 0 : i32
    %dma_wait3A_56 = arith.constant 0 : i32
    %dma_wait3A_57 = tpu.memref_slice %arg2[%dma_wait3A_55, %dma_wait3A_56] : memref<10000x128xf32, #tpu.memory_space<hbm>> -> memref<10000x128xf32, #tpu.memory_space<hbm>>
    tpu.wait_indirect_dma semaphore(%arg13 : memref<!tpu.dma_semaphore, #tpu.memory_space<semaphore_mem>>) src(%dma_wait3A_57 : memref<10000x128xf32, #tpu.memory_space<hbm>>) dst(%arg10 : memref<80x128xf32, #tpu.memory_space<vmem>>)
    %dma_wait3A_58 = arith.constant 124 : i32
    %dma_wait3A_59 = arith.constant 0 : i32
    %dma_wait3A_60 = arith.constant 0 : i32
    %dma_wait3A_61 = tpu.memref_slice %arg4[%add3A, %dma_wait3A_58, %dma_wait3A_59, %dma_wait3A_60] : memref<32x125x1x80xi32, #tpu.memory_space<hbm>> -> memref<1x1x1x80xi32, #tpu.memory_space<hbm>>
    %dma_wait3A_62 = tpu.memref_squeeze %dma_wait3A_61 : memref<1x1x1x80xi32, #tpu.memory_space<hbm>> -> memref<1x80xi32, #tpu.memory_space<hbm>>
    %dma_wait3A_63 = arith.constant 0 : i32
    %dma_wait3A_64 = arith.constant 0 : i32
    %dma_wait3A_65 = tpu.memref_slice %arg4[%add3A, %dma_wait3A_58, %dma_wait3A_63, %dma_wait3A_64] : memref<32x125x1x80xi32, #tpu.memory_space<hbm>> -> memref<1x1x1x80xi32, #tpu.memory_space<hbm>>
    %dma_wait3A_66 = tpu.memref_squeeze %dma_wait3A_65 : memref<1x1x1x80xi32, #tpu.memory_space<hbm>> -> memref<1x80xi32, #tpu.memory_space<hbm>>
    tpu.wait_dma2 semaphore(%arg17 : memref<!tpu.dma_semaphore, #tpu.memory_space<semaphore_mem>>) src(%dma_wait3A_66 : memref<1x80xi32, #tpu.memory_space<hbm>>) dst(%arg8 : memref<1x80xi32, #tpu.memory_space<vmem>>)
    %run_scoped3A = arith.constant 0 : i32
    "tpu.region"() ({
      %run_scoped3A_81 = tpu.sem_alloc : memref<!tpu.dma_semaphore, #tpu.memory_space<semaphore_mem>>
      %dma_start3A_82 = arith.constant 0 : i32
      %dma_start3A_83 = tpu.memref_slice %arg8[%run_scoped3A, %dma_start3A_82] : memref<1x80xi32, #tpu.memory_space<vmem>> -> memref<1x80xi32, #tpu.memory_space<vmem>>
      %dma_start3A_84 = tpu.memref_squeeze %dma_start3A_83 : memref<1x80xi32, #tpu.memory_space<vmem>> -> memref<80xi32, #tpu.memory_space<vmem>>
      %dma_start3A_85 = arith.constant 0 : i32
      %dma_start3A_86 = arith.constant 0 : i32
      %dma_start3A_87 = tpu.memref_slice %arg12[%dma_start3A_85, %dma_start3A_86] : memref<10240x128xf32, #tpu.memory_space<vmem_shared>> -> memref<10240x128xf32, #tpu.memory_space<vmem_shared>>
      tpu.enqueue_indirect_dma source(%arg10 : memref<80x128xf32, #tpu.memory_space<vmem>>) target(%dma_start3A_87 : memref<10240x128xf32, #tpu.memory_space<vmem_shared>>) offsets(%dma_start3A_84 : memref<80xi32, #tpu.memory_space<vmem>>) semaphore(%run_scoped3A_81 : memref<!tpu.dma_semaphore, #tpu.memory_space<semaphore_mem>>) {add = true}
      %dma_wait3A_88 = arith.constant 0 : i32
      %dma_wait3A_89 = tpu.memref_slice %arg8[%run_scoped3A, %dma_wait3A_88] : memref<1x80xi32, #tpu.memory_space<vmem>> -> memref<1x80xi32, #tpu.memory_space<vmem>>
      %dma_wait3A_90 = tpu.memref_squeeze %dma_wait3A_89 : memref<1x80xi32, #tpu.memory_space<vmem>> -> memref<80xi32, #tpu.memory_space<vmem>>
      %dma_wait3A_91 = arith.constant 0 : i32
      %dma_wait3A_92 = arith.constant 0 : i32
      %dma_wait3A_93 = tpu.memref_slice %arg12[%dma_wait3A_91, %dma_wait3A_92] : memref<10240x128xf32, #tpu.memory_space<vmem_shared>> -> memref<10240x128xf32, #tpu.memory_space<vmem_shared>>
      tpu.wait_indirect_dma semaphore(%run_scoped3A_81 : memref<!tpu.dma_semaphore, #tpu.memory_space<semaphore_mem>>) src(%arg10 : memref<80x128xf32, #tpu.memory_space<vmem>>) dst(%dma_wait3A_93 : memref<10240x128xf32, #tpu.memory_space<vmem_shared>>)
      tpu.yield
    }) : () -> ()
    %dma_wait3A_67 = arith.constant 124 : i32
    %dma_wait3A_68 = arith.constant 0 : i32
    %dma_wait3A_69 = arith.constant 0 : i32
    %dma_wait3A_70 = tpu.memref_slice %arg4[%add3A, %dma_wait3A_67, %dma_wait3A_68, %dma_wait3A_69] : memref<32x125x1x80xi32, #tpu.memory_space<hbm>> -> memref<1x1x1x80xi32, #tpu.memory_space<hbm>>
    %dma_wait3A_71 = tpu.memref_squeeze %dma_wait3A_70 : memref<1x1x1x80xi32, #tpu.memory_space<hbm>> -> memref<1x80xi32, #tpu.memory_space<hbm>>
    %dma_wait3A_72 = arith.constant 0 : i32
    %dma_wait3A_73 = arith.constant 0 : i32
    %dma_wait3A_74 = tpu.memref_slice %arg4[%add3A, %dma_wait3A_67, %dma_wait3A_72, %dma_wait3A_73] : memref<32x125x1x80xi32, #tpu.memory_space<hbm>> -> memref<1x1x1x80xi32, #tpu.memory_space<hbm>>
    %dma_wait3A_75 = tpu.memref_squeeze %dma_wait3A_74 : memref<1x1x1x80xi32, #tpu.memory_space<hbm>> -> memref<1x80xi32, #tpu.memory_space<hbm>>
    tpu.wait_dma2 semaphore(%arg18 : memref<!tpu.dma_semaphore, #tpu.memory_space<semaphore_mem>>) src(%dma_wait3A_75 : memref<1x80xi32, #tpu.memory_space<hbm>>) dst(%arg9 : memref<1x80xi32, #tpu.memory_space<vmem>>)
    %barrier3A_76 = arith.constant 0 : index
    tpu.barrier barrier_id(%barrier3A_76)
    %mul3A_77 = arith.constant 640 : i32
    %mul3A_78 = arith.muli %arg1, %mul3A_77 : i32
    %mul3A_79 = arith.constant 640 : i32
    %mul3A_80 = arith.muli %arg1, %mul3A_79 : i32
    "tpu.region"() ({
      %run_scoped3A_81 = tpu.sem_alloc : memref<!tpu.dma_semaphore, #tpu.memory_space<semaphore_mem>>
      %dma_start3A_82 = arith.constant 0 : i32
      %dma_start3A_83 = tpu.memref_slice %arg6[%arg0, %mul3A_80, %dma_start3A_82] : memref<2x10240x128xf32, #tpu.memory_space<hbm>> -> memref<1x640x128xf32, #tpu.memory_space<hbm>>
      %dma_start3A_84 = tpu.memref_squeeze %dma_start3A_83 : memref<1x640x128xf32, #tpu.memory_space<hbm>> -> memref<640x128xf32, #tpu.memory_space<hbm>>
      %dma_start3A_85 = arith.constant 0 : i32
      %dma_start3A_86 = tpu.memref_slice %arg12[%mul3A_78, %dma_start3A_85] : memref<10240x128xf32, #tpu.memory_space<vmem_shared>> -> memref<640x128xf32, #tpu.memory_space<vmem_shared>>
      tpu.enqueue_dma source(%dma_start3A_86 : memref<640x128xf32, #tpu.memory_space<vmem_shared>>) target(%dma_start3A_84 : memref<640x128xf32, #tpu.memory_space<hbm>>) target_semaphore(%run_scoped3A_81 : memref<!tpu.dma_semaphore, #tpu.memory_space<semaphore_mem>>)
      %dma_wait3A_87 = arith.constant 0 : i32
      %dma_wait3A_88 = tpu.memref_slice %arg6[%arg0, %mul3A_80, %dma_wait3A_87] : memref<2x10240x128xf32, #tpu.memory_space<hbm>> -> memref<1x640x128xf32, #tpu.memory_space<hbm>>
      %dma_wait3A_89 = tpu.memref_squeeze %dma_wait3A_88 : memref<1x640x128xf32, #tpu.memory_space<hbm>> -> memref<640x128xf32, #tpu.memory_space<hbm>>
      %dma_wait3A_90 = arith.constant 0 : i32
      %dma_wait3A_91 = tpu.memref_slice %arg12[%mul3A_78, %dma_wait3A_90] : memref<10240x128xf32, #tpu.memory_space<vmem_shared>> -> memref<640x128xf32, #tpu.memory_space<vmem_shared>>
      tpu.wait_dma2 semaphore(%run_scoped3A_81 : memref<!tpu.dma_semaphore, #tpu.memory_space<semaphore_mem>>) src(%dma_wait3A_91 : memref<640x128xf32, #tpu.memory_space<vmem_shared>>) dst(%dma_wait3A_89 : memref<640x128xf32, #tpu.memory_space<hbm>>)
      tpu.yield
    }) : () -> ()
    return
  }
}

#map = affine_map<(d0, d1) -> (0, 0)>
#map1 = affine_map<(d0, d1) -> (0, 0, 0)>
#map2 = affine_map<(d0, d1) -> (0, 0, 0, 0)>
module attributes {stable_mosaic.version = 14 : i64} {
  func.func @sc_scatter(%arg0: i32, %arg1: i32, %arg2: memref<10000x128xf32, #tpu.memory_space<hbm>>, %arg3: memref<32x125x80xi32, #tpu.memory_space<hbm>>, %arg4: memref<32x125x1x80xi32, #tpu.memory_space<hbm>>, %arg5: memref<640x128xf32, #tpu.memory_space<hbm>>, %arg6: memref<2x10240x128xf32, #tpu.memory_space<hbm>>, %arg7: memref<125x80xi32, #tpu.memory_space<vmem>>, %arg8: memref<1x80xi32, #tpu.memory_space<vmem>>, %arg9: memref<1x80xi32, #tpu.memory_space<vmem>>, %arg10: memref<80x128xf32, #tpu.memory_space<vmem>>, %arg11: memref<80x128xf32, #tpu.memory_space<vmem>>, %arg12: memref<10240x128xf32, #tpu.memory_space<vmem_shared>>, %arg13: memref<!tpu.dma_semaphore, #tpu.memory_space<semaphore_mem>>, %arg14: memref<!tpu.dma_semaphore, #tpu.memory_space<semaphore_mem>>, %arg15: memref<!tpu.dma_semaphore, #tpu.memory_space<semaphore_mem>>, %arg16: memref<!tpu.dma_semaphore, #tpu.memory_space<semaphore_mem>>, %arg17: memref<!tpu.dma_semaphore, #tpu.memory_space<semaphore_mem>>, %arg18: memref<!tpu.dma_semaphore, #tpu.memory_space<semaphore_mem>>, %arg19: memref<!tpu.dma_semaphore, #tpu.memory_space<semaphore_mem>>) attributes {dimension_semantics = [#tpu.dimension_semantics<core_parallel>, #tpu.dimension_semantics<subcore_parallel>], iteration_bounds = array<i64: 2, 16>, scalar_prefetch = 0 : i64, scratch_operands = 13 : i64, tpu.core_type = #tpu.core_type<sc_vector_subcore>, window_params = [{transform_indices = #map}, {transform_indices = #map1}, {transform_indices = #map2}, {transform_indices = #map}, {transform_indices = #map1}]} {
    %mul3A = arith.constant 16 : i32
    %mul3A_0 = arith.muli %arg0, %mul3A : i32
    %add3A = arith.addi %mul3A_0, %arg1 : i32
    %mul3A_1 = arith.constant 640 : i32
    %mul3A_2 = arith.muli %arg1, %mul3A_1 : i32
    %dma_start3A = arith.constant 0 : i32
    %dma_start3A_3 = tpu.memref_slice %arg12[%mul3A_2, %dma_start3A] : memref<10240x128xf32, #tpu.memory_space<vmem_shared>> -> memref<640x128xf32, #tpu.memory_space<vmem_shared>>
    tpu.enqueue_dma source(%arg5 : memref<640x128xf32, #tpu.memory_space<hbm>>) target(%dma_start3A_3 : memref<640x128xf32, #tpu.memory_space<vmem_shared>>) target_semaphore(%arg19 : memref<!tpu.dma_semaphore, #tpu.memory_space<semaphore_mem>>)
    %dma_start3A_4 = arith.constant 0 : i32
    %dma_start3A_5 = arith.constant 0 : i32
    %dma_start3A_6 = tpu.memref_slice %arg3[%add3A, %dma_start3A_4, %dma_start3A_5] : memref<32x125x80xi32, #tpu.memory_space<hbm>> -> memref<1x125x80xi32, #tpu.memory_space<hbm>>
    %dma_start3A_7 = tpu.memref_squeeze %dma_start3A_6 : memref<1x125x80xi32, #tpu.memory_space<hbm>> -> memref<125x80xi32, #tpu.memory_space<hbm>>
    %dma_start3A_8 = arith.constant 0 : i32
    %dma_start3A_9 = arith.constant 0 : i32
    %dma_start3A_10 = tpu.memref_slice %arg3[%add3A, %dma_start3A_8, %dma_start3A_9] : memref<32x125x80xi32, #tpu.memory_space<hbm>> -> memref<1x125x80xi32, #tpu.memory_space<hbm>>
    %dma_start3A_11 = tpu.memref_squeeze %dma_start3A_10 : memref<1x125x80xi32, #tpu.memory_space<hbm>> -> memref<125x80xi32, #tpu.memory_space<hbm>>
    tpu.enqueue_dma source(%dma_start3A_11 : memref<125x80xi32, #tpu.memory_space<hbm>>) target(%arg7 : memref<125x80xi32, #tpu.memory_space<vmem>>) target_semaphore(%arg14 : memref<!tpu.dma_semaphore, #tpu.memory_space<semaphore_mem>>)
    %dma_start3A_12 = arith.constant 0 : i32
    %dma_start3A_13 = arith.constant 0 : i32
    %dma_start3A_14 = arith.constant 0 : i32
    %dma_start3A_15 = tpu.memref_slice %arg4[%add3A, %dma_start3A_12, %dma_start3A_13, %dma_start3A_14] : memref<32x125x1x80xi32, #tpu.memory_space<hbm>> -> memref<1x1x1x80xi32, #tpu.memory_space<hbm>>
    %dma_start3A_16 = tpu.memref_squeeze %dma_start3A_15 : memref<1x1x1x80xi32, #tpu.memory_space<hbm>> -> memref<1x80xi32, #tpu.memory_space<hbm>>
    %dma_start3A_17 = arith.constant 0 : i32
    %dma_start3A_18 = arith.constant 0 : i32
    %dma_start3A_19 = tpu.memref_slice %arg4[%add3A, %dma_start3A_12, %dma_start3A_17, %dma_start3A_18] : memref<32x125x1x80xi32, #tpu.memory_space<hbm>> -> memref<1x1x1x80xi32, #tpu.memory_space<hbm>>
    %dma_start3A_20 = tpu.memref_squeeze %dma_start3A_19 : memref<1x1x1x80xi32, #tpu.memory_space<hbm>> -> memref<1x80xi32, #tpu.memory_space<hbm>>
    tpu.enqueue_dma source(%dma_start3A_20 : memref<1x80xi32, #tpu.memory_space<hbm>>) target(%arg8 : memref<1x80xi32, #tpu.memory_space<vmem>>) target_semaphore(%arg17 : memref<!tpu.dma_semaphore, #tpu.memory_space<semaphore_mem>>)
    %dma_wait3A = arith.constant 0 : i32
    %dma_wait3A_21 = arith.constant 0 : i32
    %dma_wait3A_22 = tpu.memref_slice %arg3[%add3A, %dma_wait3A, %dma_wait3A_21] : memref<32x125x80xi32, #tpu.memory_space<hbm>> -> memref<1x125x80xi32, #tpu.memory_space<hbm>>
    %dma_wait3A_23 = tpu.memref_squeeze %dma_wait3A_22 : memref<1x125x80xi32, #tpu.memory_space<hbm>> -> memref<125x80xi32, #tpu.memory_space<hbm>>
    %dma_wait3A_24 = arith.constant 0 : i32
    %dma_wait3A_25 = arith.constant 0 : i32
    %dma_wait3A_26 = tpu.memref_slice %arg3[%add3A, %dma_wait3A_24, %dma_wait3A_25] : memref<32x125x80xi32, #tpu.memory_space<hbm>> -> memref<1x125x80xi32, #tpu.memory_space<hbm>>
    %dma_wait3A_27 = tpu.memref_squeeze %dma_wait3A_26 : memref<1x125x80xi32, #tpu.memory_space<hbm>> -> memref<125x80xi32, #tpu.memory_space<hbm>>
    tpu.wait_dma2 semaphore(%arg14 : memref<!tpu.dma_semaphore, #tpu.memory_space<semaphore_mem>>) src(%dma_wait3A_27 : memref<125x80xi32, #tpu.memory_space<hbm>>) dst(%arg7 : memref<125x80xi32, #tpu.memory_space<vmem>>)
    %dma_start3A_28 = arith.constant 0 : i32
    %dma_start3A_29 = arith.constant 0 : i32
    %dma_start3A_30 = tpu.memref_slice %arg7[%dma_start3A_28, %dma_start3A_29] : memref<125x80xi32, #tpu.memory_space<vmem>> -> memref<1x80xi32, #tpu.memory_space<vmem>>
    %dma_start3A_31 = tpu.memref_squeeze %dma_start3A_30 : memref<1x80xi32, #tpu.memory_space<vmem>> -> memref<80xi32, #tpu.memory_space<vmem>>
    %dma_start3A_32 = arith.constant 0 : i32
    %dma_start3A_33 = arith.constant 0 : i32
    %dma_start3A_34 = tpu.memref_slice %arg2[%dma_start3A_32, %dma_start3A_33] : memref<10000x128xf32, #tpu.memory_space<hbm>> -> memref<10000x128xf32, #tpu.memory_space<hbm>>
    tpu.enqueue_indirect_dma source(%dma_start3A_34 : memref<10000x128xf32, #tpu.memory_space<hbm>>) target(%arg10 : memref<80x128xf32, #tpu.memory_space<vmem>>) offsets(%dma_start3A_31 : memref<80xi32, #tpu.memory_space<vmem>>) semaphore(%arg13 : memref<!tpu.dma_semaphore, #tpu.memory_space<semaphore_mem>>)
    %dma_start3A_35 = arith.constant 1 : i32
    %dma_start3A_36 = arith.constant 0 : i32
    %dma_start3A_37 = arith.constant 0 : i32
    %dma_start3A_38 = tpu.memref_slice %arg4[%add3A, %dma_start3A_35, %dma_start3A_36, %dma_start3A_37] : memref<32x125x1x80xi32, #tpu.memory_space<hbm>> -> memref<1x1x1x80xi32, #tpu.memory_space<hbm>>
    %dma_start3A_39 = tpu.memref_squeeze %dma_start3A_38 : memref<1x1x1x80xi32, #tpu.memory_space<hbm>> -> memref<1x80xi32, #tpu.memory_space<hbm>>
    %dma_start3A_40 = arith.constant 0 : i32
    %dma_start3A_41 = arith.constant 0 : i32
    %dma_start3A_42 = tpu.memref_slice %arg4[%add3A, %dma_start3A_35, %dma_start3A_40, %dma_start3A_41] : memref<32x125x1x80xi32, #tpu.memory_space<hbm>> -> memref<1x1x1x80xi32, #tpu.memory_space<hbm>>
    %dma_start3A_43 = tpu.memref_squeeze %dma_start3A_42 : memref<1x1x1x80xi32, #tpu.memory_space<hbm>> -> memref<1x80xi32, #tpu.memory_space<hbm>>
    tpu.enqueue_dma source(%dma_start3A_43 : memref<1x80xi32, #tpu.memory_space<hbm>>) target(%arg9 : memref<1x80xi32, #tpu.memory_space<vmem>>) target_semaphore(%arg18 : memref<!tpu.dma_semaphore, #tpu.memory_space<semaphore_mem>>)
    %dma_wait3A_44 = arith.constant 0 : i32
    %dma_wait3A_45 = tpu.memref_slice %arg12[%mul3A_2, %dma_wait3A_44] : memref<10240x128xf32, #tpu.memory_space<vmem_shared>> -> memref<640x128xf32, #tpu.memory_space<vmem_shared>>
    tpu.wait_dma2 semaphore(%arg19 : memref<!tpu.dma_semaphore, #tpu.memory_space<semaphore_mem>>) src(%arg5 : memref<640x128xf32, #tpu.memory_space<hbm>>) dst(%dma_wait3A_45 : memref<640x128xf32, #tpu.memory_space<vmem_shared>>)
    %barrier3A = arith.constant 0 : index
    tpu.barrier barrier_id(%barrier3A)
    %scan3A = arith.constant 0 : i32
    %scan3A_46 = arith.constant 0 : i32
    %scan3A_47 = arith.constant 62 : i32
    %scan3A_48 = arith.addi %scan3A_46, %scan3A_47 : i32
    %scan3A_49 = arith.constant 1 : i32
    scf.for %scan3A_81 = %scan3A_46 to %scan3A_48 step %scan3A_49  : i32 {
      %mul3A_82 = arith.constant 2 : i32
      %mul3A_83 = arith.muli %mul3A_82, %scan3A_81 : i32
      %dma_wait3A_84 = arith.constant 0 : i32
      %dma_wait3A_85 = tpu.memref_slice %arg7[%mul3A_83, %dma_wait3A_84] : memref<125x80xi32, #tpu.memory_space<vmem>> -> memref<1x80xi32, #tpu.memory_space<vmem>>
      %dma_wait3A_86 = tpu.memref_squeeze %dma_wait3A_85 : memref<1x80xi32, #tpu.memory_space<vmem>> -> memref<80xi32, #tpu.memory_space<vmem>>
      %dma_wait3A_87 = arith.constant 0 : i32
      %dma_wait3A_88 = arith.constant 0 : i32
      %dma_wait3A_89 = tpu.memref_slice %arg2[%dma_wait3A_87, %dma_wait3A_88] : memref<10000x128xf32, #tpu.memory_space<hbm>> -> memref<10000x128xf32, #tpu.memory_space<hbm>>
      tpu.wait_indirect_dma semaphore(%arg13 : memref<!tpu.dma_semaphore, #tpu.memory_space<semaphore_mem>>) src(%dma_wait3A_89 : memref<10000x128xf32, #tpu.memory_space<hbm>>) dst(%arg10 : memref<80x128xf32, #tpu.memory_space<vmem>>)
      %dma_wait3A_90 = arith.constant 0 : i32
      %dma_wait3A_91 = arith.constant 0 : i32
      %dma_wait3A_92 = tpu.memref_slice %arg4[%add3A, %mul3A_83, %dma_wait3A_90, %dma_wait3A_91] : memref<32x125x1x80xi32, #tpu.memory_space<hbm>> -> memref<1x1x1x80xi32, #tpu.memory_space<hbm>>
      %dma_wait3A_93 = tpu.memref_squeeze %dma_wait3A_92 : memref<1x1x1x80xi32, #tpu.memory_space<hbm>> -> memref<1x80xi32, #tpu.memory_space<hbm>>
      %dma_wait3A_94 = arith.constant 0 : i32
      %dma_wait3A_95 = arith.constant 0 : i32
      %dma_wait3A_96 = tpu.memref_slice %arg4[%add3A, %mul3A_83, %dma_wait3A_94, %dma_wait3A_95] : memref<32x125x1x80xi32, #tpu.memory_space<hbm>> -> memref<1x1x1x80xi32, #tpu.memory_space<hbm>>
      %dma_wait3A_97 = tpu.memref_squeeze %dma_wait3A_96 : memref<1x1x1x80xi32, #tpu.memory_space<hbm>> -> memref<1x80xi32, #tpu.memory_space<hbm>>
      tpu.wait_dma2 semaphore(%arg17 : memref<!tpu.dma_semaphore, #tpu.memory_space<semaphore_mem>>) src(%dma_wait3A_97 : memref<1x80xi32, #tpu.memory_space<hbm>>) dst(%arg8 : memref<1x80xi32, #tpu.memory_space<vmem>>)
      %dma_start3A_98 = arith.constant 0 : i32
      %dma_start3A_99 = arith.constant 0 : i32
      %dma_start3A_100 = tpu.memref_slice %arg8[%dma_start3A_98, %dma_start3A_99] : memref<1x80xi32, #tpu.memory_space<vmem>> -> memref<1x80xi32, #tpu.memory_space<vmem>>
      %dma_start3A_101 = tpu.memref_squeeze %dma_start3A_100 : memref<1x80xi32, #tpu.memory_space<vmem>> -> memref<80xi32, #tpu.memory_space<vmem>>
      %dma_start3A_102 = arith.constant 0 : i32
      %dma_start3A_103 = arith.constant 0 : i32
      %dma_start3A_104 = tpu.memref_slice %arg12[%dma_start3A_102, %dma_start3A_103] : memref<10240x128xf32, #tpu.memory_space<vmem_shared>> -> memref<10240x128xf32, #tpu.memory_space<vmem_shared>>
      tpu.enqueue_indirect_dma source(%arg10 : memref<80x128xf32, #tpu.memory_space<vmem>>) target(%dma_start3A_104 : memref<10240x128xf32, #tpu.memory_space<vmem_shared>>) offsets(%dma_start3A_101 : memref<80xi32, #tpu.memory_space<vmem>>) semaphore(%arg15 : memref<!tpu.dma_semaphore, #tpu.memory_space<semaphore_mem>>) {add = true}
      %add3A_105 = arith.constant 1 : i32
      %add3A_106 = arith.addi %mul3A_83, %add3A_105 : i32
      %dma_start3A_107 = arith.constant 0 : i32
      %dma_start3A_108 = tpu.memref_slice %arg7[%add3A_106, %dma_start3A_107] : memref<125x80xi32, #tpu.memory_space<vmem>> -> memref<1x80xi32, #tpu.memory_space<vmem>>
      %dma_start3A_109 = tpu.memref_squeeze %dma_start3A_108 : memref<1x80xi32, #tpu.memory_space<vmem>> -> memref<80xi32, #tpu.memory_space<vmem>>
      %dma_start3A_110 = arith.constant 0 : i32
      %dma_start3A_111 = arith.constant 0 : i32
      %dma_start3A_112 = tpu.memref_slice %arg2[%dma_start3A_110, %dma_start3A_111] : memref<10000x128xf32, #tpu.memory_space<hbm>> -> memref<10000x128xf32, #tpu.memory_space<hbm>>
      tpu.enqueue_indirect_dma source(%dma_start3A_112 : memref<10000x128xf32, #tpu.memory_space<hbm>>) target(%arg11 : memref<80x128xf32, #tpu.memory_space<vmem>>) offsets(%dma_start3A_109 : memref<80xi32, #tpu.memory_space<vmem>>) semaphore(%arg14 : memref<!tpu.dma_semaphore, #tpu.memory_space<semaphore_mem>>)
      %dma_wait3A_113 = arith.constant 0 : i32
      %dma_wait3A_114 = arith.constant 0 : i32
      %dma_wait3A_115 = tpu.memref_slice %arg8[%dma_wait3A_113, %dma_wait3A_114] : memref<1x80xi32, #tpu.memory_space<vmem>> -> memref<1x80xi32, #tpu.memory_space<vmem>>
      %dma_wait3A_116 = tpu.memref_squeeze %dma_wait3A_115 : memref<1x80xi32, #tpu.memory_space<vmem>> -> memref<80xi32, #tpu.memory_space<vmem>>
      %dma_wait3A_117 = arith.constant 0 : i32
      %dma_wait3A_118 = arith.constant 0 : i32
      %dma_wait3A_119 = tpu.memref_slice %arg12[%dma_wait3A_117, %dma_wait3A_118] : memref<10240x128xf32, #tpu.memory_space<vmem_shared>> -> memref<10240x128xf32, #tpu.memory_space<vmem_shared>>
      tpu.wait_indirect_dma semaphore(%arg15 : memref<!tpu.dma_semaphore, #tpu.memory_space<semaphore_mem>>) src(%arg10 : memref<80x128xf32, #tpu.memory_space<vmem>>) dst(%dma_wait3A_119 : memref<10240x128xf32, #tpu.memory_space<vmem_shared>>)
      %add3A_120 = arith.constant 2 : i32
      %add3A_121 = arith.addi %mul3A_83, %add3A_120 : i32
      %dma_start3A_122 = arith.constant 0 : i32
      %dma_start3A_123 = arith.constant 0 : i32
      %dma_start3A_124 = tpu.memref_slice %arg4[%add3A, %add3A_121, %dma_start3A_122, %dma_start3A_123] : memref<32x125x1x80xi32, #tpu.memory_space<hbm>> -> memref<1x1x1x80xi32, #tpu.memory_space<hbm>>
      %dma_start3A_125 = tpu.memref_squeeze %dma_start3A_124 : memref<1x1x1x80xi32, #tpu.memory_space<hbm>> -> memref<1x80xi32, #tpu.memory_space<hbm>>
      %dma_start3A_126 = arith.constant 0 : i32
      %dma_start3A_127 = arith.constant 0 : i32
      %dma_start3A_128 = tpu.memref_slice %arg4[%add3A, %add3A_121, %dma_start3A_126, %dma_start3A_127] : memref<32x125x1x80xi32, #tpu.memory_space<hbm>> -> memref<1x1x1x80xi32, #tpu.memory_space<hbm>>
      %dma_start3A_129 = tpu.memref_squeeze %dma_start3A_128 : memref<1x1x1x80xi32, #tpu.memory_space<hbm>> -> memref<1x80xi32, #tpu.memory_space<hbm>>
      tpu.enqueue_dma source(%dma_start3A_129 : memref<1x80xi32, #tpu.memory_space<hbm>>) target(%arg8 : memref<1x80xi32, #tpu.memory_space<vmem>>) target_semaphore(%arg17 : memref<!tpu.dma_semaphore, #tpu.memory_space<semaphore_mem>>)
      %dma_wait3A_130 = arith.constant 0 : i32
      %dma_wait3A_131 = tpu.memref_slice %arg7[%add3A_106, %dma_wait3A_130] : memref<125x80xi32, #tpu.memory_space<vmem>> -> memref<1x80xi32, #tpu.memory_space<vmem>>
      %dma_wait3A_132 = tpu.memref_squeeze %dma_wait3A_131 : memref<1x80xi32, #tpu.memory_space<vmem>> -> memref<80xi32, #tpu.memory_space<vmem>>
      %dma_wait3A_133 = arith.constant 0 : i32
      %dma_wait3A_134 = arith.constant 0 : i32
      %dma_wait3A_135 = tpu.memref_slice %arg2[%dma_wait3A_133, %dma_wait3A_134] : memref<10000x128xf32, #tpu.memory_space<hbm>> -> memref<10000x128xf32, #tpu.memory_space<hbm>>
      tpu.wait_indirect_dma semaphore(%arg14 : memref<!tpu.dma_semaphore, #tpu.memory_space<semaphore_mem>>) src(%dma_wait3A_135 : memref<10000x128xf32, #tpu.memory_space<hbm>>) dst(%arg11 : memref<80x128xf32, #tpu.memory_space<vmem>>)
      %add3A_136 = arith.constant 1 : i32
      %add3A_137 = arith.addi %mul3A_83, %add3A_136 : i32
      %dma_wait3A_138 = arith.constant 0 : i32
      %dma_wait3A_139 = arith.constant 0 : i32
      %dma_wait3A_140 = tpu.memref_slice %arg4[%add3A, %add3A_137, %dma_wait3A_138, %dma_wait3A_139] : memref<32x125x1x80xi32, #tpu.memory_space<hbm>> -> memref<1x1x1x80xi32, #tpu.memory_space<hbm>>
      %dma_wait3A_141 = tpu.memref_squeeze %dma_wait3A_140 : memref<1x1x1x80xi32, #tpu.memory_space<hbm>> -> memref<1x80xi32, #tpu.memory_space<hbm>>
      %dma_wait3A_142 = arith.constant 0 : i32
      %dma_wait3A_143 = arith.constant 0 : i32
      %dma_wait3A_144 = tpu.memref_slice %arg4[%add3A, %add3A_137, %dma_wait3A_142, %dma_wait3A_143] : memref<32x125x1x80xi32, #tpu.memory_space<hbm>> -> memref<1x1x1x80xi32, #tpu.memory_space<hbm>>
      %dma_wait3A_145 = tpu.memref_squeeze %dma_wait3A_144 : memref<1x1x1x80xi32, #tpu.memory_space<hbm>> -> memref<1x80xi32, #tpu.memory_space<hbm>>
      tpu.wait_dma2 semaphore(%arg18 : memref<!tpu.dma_semaphore, #tpu.memory_space<semaphore_mem>>) src(%dma_wait3A_145 : memref<1x80xi32, #tpu.memory_space<hbm>>) dst(%arg9 : memref<1x80xi32, #tpu.memory_space<vmem>>)
      %dma_start3A_146 = arith.constant 0 : i32
      %dma_start3A_147 = arith.constant 0 : i32
      %dma_start3A_148 = tpu.memref_slice %arg9[%dma_start3A_146, %dma_start3A_147] : memref<1x80xi32, #tpu.memory_space<vmem>> -> memref<1x80xi32, #tpu.memory_space<vmem>>
      %dma_start3A_149 = tpu.memref_squeeze %dma_start3A_148 : memref<1x80xi32, #tpu.memory_space<vmem>> -> memref<80xi32, #tpu.memory_space<vmem>>
      %dma_start3A_150 = arith.constant 0 : i32
      %dma_start3A_151 = arith.constant 0 : i32
      %dma_start3A_152 = tpu.memref_slice %arg12[%dma_start3A_150, %dma_start3A_151] : memref<10240x128xf32, #tpu.memory_space<vmem_shared>> -> memref<10240x128xf32, #tpu.memory_space<vmem_shared>>
      tpu.enqueue_indirect_dma source(%arg11 : memref<80x128xf32, #tpu.memory_space<vmem>>) target(%dma_start3A_152 : memref<10240x128xf32, #tpu.memory_space<vmem_shared>>) offsets(%dma_start3A_149 : memref<80xi32, #tpu.memory_space<vmem>>) semaphore(%arg16 : memref<!tpu.dma_semaphore, #tpu.memory_space<semaphore_mem>>) {add = true}
      %add3A_153 = arith.constant 2 : i32
      %add3A_154 = arith.addi %mul3A_83, %add3A_153 : i32
      %dma_start3A_155 = arith.constant 0 : i32
      %dma_start3A_156 = tpu.memref_slice %arg7[%add3A_154, %dma_start3A_155] : memref<125x80xi32, #tpu.memory_space<vmem>> -> memref<1x80xi32, #tpu.memory_space<vmem>>
      %dma_start3A_157 = tpu.memref_squeeze %dma_start3A_156 : memref<1x80xi32, #tpu.memory_space<vmem>> -> memref<80xi32, #tpu.memory_space<vmem>>
      %dma_start3A_158 = arith.constant 0 : i32
      %dma_start3A_159 = arith.constant 0 : i32
      %dma_start3A_160 = tpu.memref_slice %arg2[%dma_start3A_158, %dma_start3A_159] : memref<10000x128xf32, #tpu.memory_space<hbm>> -> memref<10000x128xf32, #tpu.memory_space<hbm>>
      tpu.enqueue_indirect_dma source(%dma_start3A_160 : memref<10000x128xf32, #tpu.memory_space<hbm>>) target(%arg10 : memref<80x128xf32, #tpu.memory_space<vmem>>) offsets(%dma_start3A_157 : memref<80xi32, #tpu.memory_space<vmem>>) semaphore(%arg13 : memref<!tpu.dma_semaphore, #tpu.memory_space<semaphore_mem>>)
      %dma_wait3A_161 = arith.constant 0 : i32
      %dma_wait3A_162 = arith.constant 0 : i32
      %dma_wait3A_163 = tpu.memref_slice %arg9[%dma_wait3A_161, %dma_wait3A_162] : memref<1x80xi32, #tpu.memory_space<vmem>> -> memref<1x80xi32, #tpu.memory_space<vmem>>
      %dma_wait3A_164 = tpu.memref_squeeze %dma_wait3A_163 : memref<1x80xi32, #tpu.memory_space<vmem>> -> memref<80xi32, #tpu.memory_space<vmem>>
      %dma_wait3A_165 = arith.constant 0 : i32
      %dma_wait3A_166 = arith.constant 0 : i32
      %dma_wait3A_167 = tpu.memref_slice %arg12[%dma_wait3A_165, %dma_wait3A_166] : memref<10240x128xf32, #tpu.memory_space<vmem_shared>> -> memref<10240x128xf32, #tpu.memory_space<vmem_shared>>
      tpu.wait_indirect_dma semaphore(%arg16 : memref<!tpu.dma_semaphore, #tpu.memory_space<semaphore_mem>>) src(%arg11 : memref<80x128xf32, #tpu.memory_space<vmem>>) dst(%dma_wait3A_167 : memref<10240x128xf32, #tpu.memory_space<vmem_shared>>)
      %add3A_168 = arith.constant 3 : i32
      %add3A_169 = arith.addi %mul3A_83, %add3A_168 : i32
      %min3A = arith.constant 124 : i32
      %min3A_170 = arith.minsi %add3A_169, %min3A : i32
      %dma_start3A_171 = arith.constant 0 : i32
      %dma_start3A_172 = arith.constant 0 : i32
      %dma_start3A_173 = tpu.memref_slice %arg4[%add3A, %min3A_170, %dma_start3A_171, %dma_start3A_172] : memref<32x125x1x80xi32, #tpu.memory_space<hbm>> -> memref<1x1x1x80xi32, #tpu.memory_space<hbm>>
      %dma_start3A_174 = tpu.memref_squeeze %dma_start3A_173 : memref<1x1x1x80xi32, #tpu.memory_space<hbm>> -> memref<1x80xi32, #tpu.memory_space<hbm>>
      %dma_start3A_175 = arith.constant 0 : i32
      %dma_start3A_176 = arith.constant 0 : i32
      %dma_start3A_177 = tpu.memref_slice %arg4[%add3A, %min3A_170, %dma_start3A_175, %dma_start3A_176] : memref<32x125x1x80xi32, #tpu.memory_space<hbm>> -> memref<1x1x1x80xi32, #tpu.memory_space<hbm>>
      %dma_start3A_178 = tpu.memref_squeeze %dma_start3A_177 : memref<1x1x1x80xi32, #tpu.memory_space<hbm>> -> memref<1x80xi32, #tpu.memory_space<hbm>>
      tpu.enqueue_dma source(%dma_start3A_178 : memref<1x80xi32, #tpu.memory_space<hbm>>) target(%arg9 : memref<1x80xi32, #tpu.memory_space<vmem>>) target_semaphore(%arg18 : memref<!tpu.dma_semaphore, #tpu.memory_space<semaphore_mem>>)
    }
    %scan3A_50 = arith.constant 62 : i32
    %dma_wait3A_51 = arith.constant 124 : i32
    %dma_wait3A_52 = arith.constant 0 : i32
    %dma_wait3A_53 = tpu.memref_slice %arg7[%dma_wait3A_51, %dma_wait3A_52] : memref<125x80xi32, #tpu.memory_space<vmem>> -> memref<1x80xi32, #tpu.memory_space<vmem>>
    %dma_wait3A_54 = tpu.memref_squeeze %dma_wait3A_53 : memref<1x80xi32, #tpu.memory_space<vmem>> -> memref<80xi32, #tpu.memory_space<vmem>>
    %dma_wait3A_55 = arith.constant 0 : i32
    %dma_wait3A_56 = arith.constant 0 : i32
    %dma_wait3A_57 = tpu.memref_slice %arg2[%dma_wait3A_55, %dma_wait3A_56] : memref<10000x128xf32, #tpu.memory_space<hbm>> -> memref<10000x128xf32, #tpu.memory_space<hbm>>
    tpu.wait_indirect_dma semaphore(%arg13 : memref<!tpu.dma_semaphore, #tpu.memory_space<semaphore_mem>>) src(%dma_wait3A_57 : memref<10000x128xf32, #tpu.memory_space<hbm>>) dst(%arg10 : memref<80x128xf32, #tpu.memory_space<vmem>>)
    %dma_wait3A_58 = arith.constant 124 : i32
    %dma_wait3A_59 = arith.constant 0 : i32
    %dma_wait3A_60 = arith.constant 0 : i32
    %dma_wait3A_61 = tpu.memref_slice %arg4[%add3A, %dma_wait3A_58, %dma_wait3A_59, %dma_wait3A_60] : memref<32x125x1x80xi32, #tpu.memory_space<hbm>> -> memref<1x1x1x80xi32, #tpu.memory_space<hbm>>
    %dma_wait3A_62 = tpu.memref_squeeze %dma_wait3A_61 : memref<1x1x1x80xi32, #tpu.memory_space<hbm>> -> memref<1x80xi32, #tpu.memory_space<hbm>>
    %dma_wait3A_63 = arith.constant 0 : i32
    %dma_wait3A_64 = arith.constant 0 : i32
    %dma_wait3A_65 = tpu.memref_slice %arg4[%add3A, %dma_wait3A_58, %dma_wait3A_63, %dma_wait3A_64] : memref<32x125x1x80xi32, #tpu.memory_space<hbm>> -> memref<1x1x1x80xi32, #tpu.memory_space<hbm>>
    %dma_wait3A_66 = tpu.memref_squeeze %dma_wait3A_65 : memref<1x1x1x80xi32, #tpu.memory_space<hbm>> -> memref<1x80xi32, #tpu.memory_space<hbm>>
    tpu.wait_dma2 semaphore(%arg17 : memref<!tpu.dma_semaphore, #tpu.memory_space<semaphore_mem>>) src(%dma_wait3A_66 : memref<1x80xi32, #tpu.memory_space<hbm>>) dst(%arg8 : memref<1x80xi32, #tpu.memory_space<vmem>>)
    %run_scoped3A = arith.constant 0 : i32
    "tpu.region"() ({
      %run_scoped3A_81 = tpu.sem_alloc : memref<!tpu.dma_semaphore, #tpu.memory_space<semaphore_mem>>
      %dma_start3A_82 = arith.constant 0 : i32
      %dma_start3A_83 = tpu.memref_slice %arg8[%run_scoped3A, %dma_start3A_82] : memref<1x80xi32, #tpu.memory_space<vmem>> -> memref<1x80xi32, #tpu.memory_space<vmem>>
      %dma_start3A_84 = tpu.memref_squeeze %dma_start3A_83 : memref<1x80xi32, #tpu.memory_space<vmem>> -> memref<80xi32, #tpu.memory_space<vmem>>
      %dma_start3A_85 = arith.constant 0 : i32
      %dma_start3A_86 = arith.constant 0 : i32
      %dma_start3A_87 = tpu.memref_slice %arg12[%dma_start3A_85, %dma_start3A_86] : memref<10240x128xf32, #tpu.memory_space<vmem_shared>> -> memref<10240x128xf32, #tpu.memory_space<vmem_shared>>
      tpu.enqueue_indirect_dma source(%arg10 : memref<80x128xf32, #tpu.memory_space<vmem>>) target(%dma_start3A_87 : memref<10240x128xf32, #tpu.memory_space<vmem_shared>>) offsets(%dma_start3A_84 : memref<80xi32, #tpu.memory_space<vmem>>) semaphore(%run_scoped3A_81 : memref<!tpu.dma_semaphore, #tpu.memory_space<semaphore_mem>>) {add = true}
      %dma_wait3A_88 = arith.constant 0 : i32
      %dma_wait3A_89 = tpu.memref_slice %arg8[%run_scoped3A, %dma_wait3A_88] : memref<1x80xi32, #tpu.memory_space<vmem>> -> memref<1x80xi32, #tpu.memory_space<vmem>>
      %dma_wait3A_90 = tpu.memref_squeeze %dma_wait3A_89 : memref<1x80xi32, #tpu.memory_space<vmem>> -> memref<80xi32, #tpu.memory_space<vmem>>
      %dma_wait3A_91 = arith.constant 0 : i32
      %dma_wait3A_92 = arith.constant 0 : i32
      %dma_wait3A_93 = tpu.memref_slice %arg12[%dma_wait3A_91, %dma_wait3A_92] : memref<10240x128xf32, #tpu.memory_space<vmem_shared>> -> memref<10240x128xf32, #tpu.memory_space<vmem_shared>>
      tpu.wait_indirect_dma semaphore(%run_scoped3A_81 : memref<!tpu.dma_semaphore, #tpu.memory_space<semaphore_mem>>) src(%arg10 : memref<80x128xf32, #tpu.memory_space<vmem>>) dst(%dma_wait3A_93 : memref<10240x128xf32, #tpu.memory_space<vmem_shared>>)
      tpu.yield
    }) : () -> ()
    %dma_wait3A_67 = arith.constant 124 : i32
    %dma_wait3A_68 = arith.constant 0 : i32
    %dma_wait3A_69 = arith.constant 0 : i32
    %dma_wait3A_70 = tpu.memref_slice %arg4[%add3A, %dma_wait3A_67, %dma_wait3A_68, %dma_wait3A_69] : memref<32x125x1x80xi32, #tpu.memory_space<hbm>> -> memref<1x1x1x80xi32, #tpu.memory_space<hbm>>
    %dma_wait3A_71 = tpu.memref_squeeze %dma_wait3A_70 : memref<1x1x1x80xi32, #tpu.memory_space<hbm>> -> memref<1x80xi32, #tpu.memory_space<hbm>>
    %dma_wait3A_72 = arith.constant 0 : i32
    %dma_wait3A_73 = arith.constant 0 : i32
    %dma_wait3A_74 = tpu.memref_slice %arg4[%add3A, %dma_wait3A_67, %dma_wait3A_72, %dma_wait3A_73] : memref<32x125x1x80xi32, #tpu.memory_space<hbm>> -> memref<1x1x1x80xi32, #tpu.memory_space<hbm>>
    %dma_wait3A_75 = tpu.memref_squeeze %dma_wait3A_74 : memref<1x1x1x80xi32, #tpu.memory_space<hbm>> -> memref<1x80xi32, #tpu.memory_space<hbm>>
    tpu.wait_dma2 semaphore(%arg18 : memref<!tpu.dma_semaphore, #tpu.memory_space<semaphore_mem>>) src(%dma_wait3A_75 : memref<1x80xi32, #tpu.memory_space<hbm>>) dst(%arg9 : memref<1x80xi32, #tpu.memory_space<vmem>>)
    %barrier3A_76 = arith.constant 0 : index
    tpu.barrier barrier_id(%barrier3A_76)
    %mul3A_77 = arith.constant 640 : i32
    %mul3A_78 = arith.muli %arg1, %mul3A_77 : i32
    %mul3A_79 = arith.constant 640 : i32
    %mul3A_80 = arith.muli %arg1, %mul3A_79 : i32
    "tpu.region"() ({
      %run_scoped3A_81 = tpu.sem_alloc : memref<!tpu.dma_semaphore, #tpu.memory_space<semaphore_mem>>
      %dma_start3A_82 = arith.constant 0 : i32
      %dma_start3A_83 = tpu.memref_slice %arg6[%arg0, %mul3A_80, %dma_start3A_82] : memref<2x10240x128xf32, #tpu.memory_space<hbm>> -> memref<1x640x128xf32, #tpu.memory_space<hbm>>
      %dma_start3A_84 = tpu.memref_squeeze %dma_start3A_83 : memref<1x640x128xf32, #tpu.memory_space<hbm>> -> memref<640x128xf32, #tpu.memory_space<hbm>>
      %dma_start3A_85 = arith.constant 0 : i32
      %dma_start3A_86 = tpu.memref_slice %arg12[%mul3A_78, %dma_start3A_85] : memref<10240x128xf32, #tpu.memory_space<vmem_shared>> -> memref<640x128xf32, #tpu.memory_space<vmem_shared>>
      tpu.enqueue_dma source(%dma_start3A_86 : memref<640x128xf32, #tpu.memory_space<vmem_shared>>) target(%dma_start3A_84 : memref<640x128xf32, #tpu.memory_space<hbm>>) target_semaphore(%run_scoped3A_81 : memref<!tpu.dma_semaphore, #tpu.memory_space<semaphore_mem>>)
      %dma_wait3A_87 = arith.constant 0 : i32
      %dma_wait3A_88 = tpu.memref_slice %arg6[%arg0, %mul3A_80, %dma_wait3A_87] : memref<2x10240x128xf32, #tpu.memory_space<hbm>> -> memref<1x640x128xf32, #tpu.memory_space<hbm>>
      %dma_wait3A_89 = tpu.memref_squeeze %dma_wait3A_88 : memref<1x640x128xf32, #tpu.memory_space<hbm>> -> memref<640x128xf32, #tpu.memory_space<hbm>>
      %dma_wait3A_90 = arith.constant 0 : i32
      %dma_wait3A_91 = tpu.memref_slice %arg12[%mul3A_78, %dma_wait3A_90] : memref<10240x128xf32, #tpu.memory_space<vmem_shared>> -> memref<640x128xf32, #tpu.memory_space<vmem_shared>>
      tpu.wait_dma2 semaphore(%run_scoped3A_81 : memref<!tpu.dma_semaphore, #tpu.memory_space<semaphore_mem>>) src(%dma_wait3A_91 : memref<640x128xf32, #tpu.memory_space<vmem_shared>>) dst(%dma_wait3A_89 : memref<640x128xf32, #tpu.memory_space<hbm>>)
      tpu.yield
    }) : () -> ()
    return
  }
}

#map = affine_map<(d0, d1) -> (0, 0, 0)>
#map1 = affine_map<(d0, d1) -> (0, 0)>
module attributes {stable_mosaic.version = 14 : i64} {
  func.func @sc_degree(%arg0: i32, %arg1: i32, %arg2: memref<32x125x80xi32, #tpu.memory_space<hbm>>, %arg3: memref<80x128xf32, #tpu.memory_space<hbm>>, %arg4: memref<640x128xf32, #tpu.memory_space<hbm>>, %arg5: memref<2x10240x128xf32, #tpu.memory_space<hbm>>, %arg6: memref<125x80xi32, #tpu.memory_space<vmem>>, %arg7: memref<80x128xf32, #tpu.memory_space<vmem>>, %arg8: memref<10240x128xf32, #tpu.memory_space<vmem_shared>>) attributes {dimension_semantics = [#tpu.dimension_semantics<core_parallel>, #tpu.dimension_semantics<subcore_parallel>], iteration_bounds = array<i64: 2, 16>, scalar_prefetch = 0 : i64, scratch_operands = 3 : i64, tpu.core_type = #tpu.core_type<sc_vector_subcore>, window_params = [{transform_indices = #map}, {transform_indices = #map1}, {transform_indices = #map1}, {transform_indices = #map}]} {
    %mul3A = arith.constant 16 : i32
    %mul3A_0 = arith.muli %arg0, %mul3A : i32
    %add3A = arith.addi %mul3A_0, %arg1 : i32
    %mul3A_1 = arith.constant 640 : i32
    %mul3A_2 = arith.muli %arg1, %mul3A_1 : i32
    "tpu.region"() ({
      %run_scoped3A = tpu.sem_alloc : memref<!tpu.dma_semaphore, #tpu.memory_space<semaphore_mem>>
      %dma_start3A = arith.constant 0 : i32
      %dma_start3A_13 = tpu.memref_slice %arg8[%mul3A_2, %dma_start3A] : memref<10240x128xf32, #tpu.memory_space<vmem_shared>> -> memref<640x128xf32, #tpu.memory_space<vmem_shared>>
      tpu.enqueue_dma source(%arg4 : memref<640x128xf32, #tpu.memory_space<hbm>>) target(%dma_start3A_13 : memref<640x128xf32, #tpu.memory_space<vmem_shared>>) target_semaphore(%run_scoped3A : memref<!tpu.dma_semaphore, #tpu.memory_space<semaphore_mem>>)
      %dma_wait3A = arith.constant 0 : i32
      %dma_wait3A_14 = tpu.memref_slice %arg8[%mul3A_2, %dma_wait3A] : memref<10240x128xf32, #tpu.memory_space<vmem_shared>> -> memref<640x128xf32, #tpu.memory_space<vmem_shared>>
      tpu.wait_dma2 semaphore(%run_scoped3A : memref<!tpu.dma_semaphore, #tpu.memory_space<semaphore_mem>>) src(%arg4 : memref<640x128xf32, #tpu.memory_space<hbm>>) dst(%dma_wait3A_14 : memref<640x128xf32, #tpu.memory_space<vmem_shared>>)
      tpu.yield
    }) : () -> ()
    "tpu.region"() ({
      %run_scoped3A = tpu.sem_alloc : memref<!tpu.dma_semaphore, #tpu.memory_space<semaphore_mem>>
      %dma_start3A = arith.constant 0 : i32
      %dma_start3A_13 = arith.constant 0 : i32
      %dma_start3A_14 = tpu.memref_slice %arg2[%add3A, %dma_start3A, %dma_start3A_13] : memref<32x125x80xi32, #tpu.memory_space<hbm>> -> memref<1x125x80xi32, #tpu.memory_space<hbm>>
      %dma_start3A_15 = tpu.memref_squeeze %dma_start3A_14 : memref<1x125x80xi32, #tpu.memory_space<hbm>> -> memref<125x80xi32, #tpu.memory_space<hbm>>
      %dma_start3A_16 = arith.constant 0 : i32
      %dma_start3A_17 = arith.constant 0 : i32
      %dma_start3A_18 = tpu.memref_slice %arg2[%add3A, %dma_start3A_16, %dma_start3A_17] : memref<32x125x80xi32, #tpu.memory_space<hbm>> -> memref<1x125x80xi32, #tpu.memory_space<hbm>>
      %dma_start3A_19 = tpu.memref_squeeze %dma_start3A_18 : memref<1x125x80xi32, #tpu.memory_space<hbm>> -> memref<125x80xi32, #tpu.memory_space<hbm>>
      tpu.enqueue_dma source(%dma_start3A_19 : memref<125x80xi32, #tpu.memory_space<hbm>>) target(%arg6 : memref<125x80xi32, #tpu.memory_space<vmem>>) target_semaphore(%run_scoped3A : memref<!tpu.dma_semaphore, #tpu.memory_space<semaphore_mem>>)
      %dma_wait3A = arith.constant 0 : i32
      %dma_wait3A_20 = arith.constant 0 : i32
      %dma_wait3A_21 = tpu.memref_slice %arg2[%add3A, %dma_wait3A, %dma_wait3A_20] : memref<32x125x80xi32, #tpu.memory_space<hbm>> -> memref<1x125x80xi32, #tpu.memory_space<hbm>>
      %dma_wait3A_22 = tpu.memref_squeeze %dma_wait3A_21 : memref<1x125x80xi32, #tpu.memory_space<hbm>> -> memref<125x80xi32, #tpu.memory_space<hbm>>
      %dma_wait3A_23 = arith.constant 0 : i32
      %dma_wait3A_24 = arith.constant 0 : i32
      %dma_wait3A_25 = tpu.memref_slice %arg2[%add3A, %dma_wait3A_23, %dma_wait3A_24] : memref<32x125x80xi32, #tpu.memory_space<hbm>> -> memref<1x125x80xi32, #tpu.memory_space<hbm>>
      %dma_wait3A_26 = tpu.memref_squeeze %dma_wait3A_25 : memref<1x125x80xi32, #tpu.memory_space<hbm>> -> memref<125x80xi32, #tpu.memory_space<hbm>>
      tpu.wait_dma2 semaphore(%run_scoped3A : memref<!tpu.dma_semaphore, #tpu.memory_space<semaphore_mem>>) src(%dma_wait3A_26 : memref<125x80xi32, #tpu.memory_space<hbm>>) dst(%arg6 : memref<125x80xi32, #tpu.memory_space<vmem>>)
      tpu.yield
    }) : () -> ()
    "tpu.region"() ({
      %run_scoped3A = tpu.sem_alloc : memref<!tpu.dma_semaphore, #tpu.memory_space<semaphore_mem>>
      tpu.enqueue_dma source(%arg3 : memref<80x128xf32, #tpu.memory_space<hbm>>) target(%arg7 : memref<80x128xf32, #tpu.memory_space<vmem>>) target_semaphore(%run_scoped3A : memref<!tpu.dma_semaphore, #tpu.memory_space<semaphore_mem>>)
      tpu.wait_dma2 semaphore(%run_scoped3A : memref<!tpu.dma_semaphore, #tpu.memory_space<semaphore_mem>>) src(%arg3 : memref<80x128xf32, #tpu.memory_space<hbm>>) dst(%arg7 : memref<80x128xf32, #tpu.memory_space<vmem>>)
      tpu.yield
    }) : () -> ()
    %barrier3A = arith.constant 0 : index
    tpu.barrier barrier_id(%barrier3A)
    %scan3A = arith.constant 0 : i32
    %scan3A_3 = arith.constant 0 : i32
    %scan3A_4 = arith.constant 125 : i32
    %scan3A_5 = arith.addi %scan3A_3, %scan3A_4 : i32
    %scan3A_6 = arith.constant 1 : i32
    scf.for %scan3A_13 = %scan3A_3 to %scan3A_5 step %scan3A_6  : i32 {
      "tpu.region"() ({
        %run_scoped3A = tpu.sem_alloc : memref<!tpu.dma_semaphore, #tpu.memory_space<semaphore_mem>>
        %dma_start3A = arith.constant 0 : i32
        %dma_start3A_14 = tpu.memref_slice %arg6[%scan3A_13, %dma_start3A] : memref<125x80xi32, #tpu.memory_space<vmem>> -> memref<1x80xi32, #tpu.memory_space<vmem>>
        %dma_start3A_15 = tpu.memref_squeeze %dma_start3A_14 : memref<1x80xi32, #tpu.memory_space<vmem>> -> memref<80xi32, #tpu.memory_space<vmem>>
        %dma_start3A_16 = arith.constant 0 : i32
        %dma_start3A_17 = arith.constant 0 : i32
        %dma_start3A_18 = tpu.memref_slice %arg8[%dma_start3A_16, %dma_start3A_17] : memref<10240x128xf32, #tpu.memory_space<vmem_shared>> -> memref<10240x128xf32, #tpu.memory_space<vmem_shared>>
        tpu.enqueue_indirect_dma source(%arg7 : memref<80x128xf32, #tpu.memory_space<vmem>>) target(%dma_start3A_18 : memref<10240x128xf32, #tpu.memory_space<vmem_shared>>) offsets(%dma_start3A_15 : memref<80xi32, #tpu.memory_space<vmem>>) semaphore(%run_scoped3A : memref<!tpu.dma_semaphore, #tpu.memory_space<semaphore_mem>>) {add = true}
        %dma_wait3A = arith.constant 0 : i32
        %dma_wait3A_19 = tpu.memref_slice %arg6[%scan3A_13, %dma_wait3A] : memref<125x80xi32, #tpu.memory_space<vmem>> -> memref<1x80xi32, #tpu.memory_space<vmem>>
        %dma_wait3A_20 = tpu.memref_squeeze %dma_wait3A_19 : memref<1x80xi32, #tpu.memory_space<vmem>> -> memref<80xi32, #tpu.memory_space<vmem>>
        %dma_wait3A_21 = arith.constant 0 : i32
        %dma_wait3A_22 = arith.constant 0 : i32
        %dma_wait3A_23 = tpu.memref_slice %arg8[%dma_wait3A_21, %dma_wait3A_22] : memref<10240x128xf32, #tpu.memory_space<vmem_shared>> -> memref<10240x128xf32, #tpu.memory_space<vmem_shared>>
        tpu.wait_indirect_dma semaphore(%run_scoped3A : memref<!tpu.dma_semaphore, #tpu.memory_space<semaphore_mem>>) src(%arg7 : memref<80x128xf32, #tpu.memory_space<vmem>>) dst(%dma_wait3A_23 : memref<10240x128xf32, #tpu.memory_space<vmem_shared>>)
        tpu.yield
      }) : () -> ()
    }
    %scan3A_7 = arith.constant 125 : i32
    %barrier3A_8 = arith.constant 0 : index
    tpu.barrier barrier_id(%barrier3A_8)
    %mul3A_9 = arith.constant 640 : i32
    %mul3A_10 = arith.muli %arg1, %mul3A_9 : i32
    %mul3A_11 = arith.constant 640 : i32
    %mul3A_12 = arith.muli %arg1, %mul3A_11 : i32
    "tpu.region"() ({
      %run_scoped3A = tpu.sem_alloc : memref<!tpu.dma_semaphore, #tpu.memory_space<semaphore_mem>>
      %dma_start3A = arith.constant 0 : i32
      %dma_start3A_13 = tpu.memref_slice %arg5[%arg0, %mul3A_12, %dma_start3A] : memref<2x10240x128xf32, #tpu.memory_space<hbm>> -> memref<1x640x128xf32, #tpu.memory_space<hbm>>
      %dma_start3A_14 = tpu.memref_squeeze %dma_start3A_13 : memref<1x640x128xf32, #tpu.memory_space<hbm>> -> memref<640x128xf32, #tpu.memory_space<hbm>>
      %dma_start3A_15 = arith.constant 0 : i32
      %dma_start3A_16 = tpu.memref_slice %arg8[%mul3A_10, %dma_start3A_15] : memref<10240x128xf32, #tpu.memory_space<vmem_shared>> -> memref<640x128xf32, #tpu.memory_space<vmem_shared>>
      tpu.enqueue_dma source(%dma_start3A_16 : memref<640x128xf32, #tpu.memory_space<vmem_shared>>) target(%dma_start3A_14 : memref<640x128xf32, #tpu.memory_space<hbm>>) target_semaphore(%run_scoped3A : memref<!tpu.dma_semaphore, #tpu.memory_space<semaphore_mem>>)
      %dma_wait3A = arith.constant 0 : i32
      %dma_wait3A_17 = tpu.memref_slice %arg5[%arg0, %mul3A_12, %dma_wait3A] : memref<2x10240x128xf32, #tpu.memory_space<hbm>> -> memref<1x640x128xf32, #tpu.memory_space<hbm>>
      %dma_wait3A_18 = tpu.memref_squeeze %dma_wait3A_17 : memref<1x640x128xf32, #tpu.memory_space<hbm>> -> memref<640x128xf32, #tpu.memory_space<hbm>>
      %dma_wait3A_19 = arith.constant 0 : i32
      %dma_wait3A_20 = tpu.memref_slice %arg8[%mul3A_10, %dma_wait3A_19] : memref<10240x128xf32, #tpu.memory_space<vmem_shared>> -> memref<640x128xf32, #tpu.memory_space<vmem_shared>>
      tpu.wait_dma2 semaphore(%run_scoped3A : memref<!tpu.dma_semaphore, #tpu.memory_space<semaphore_mem>>) src(%dma_wait3A_20 : memref<640x128xf32, #tpu.memory_space<vmem_shared>>) dst(%dma_wait3A_18 : memref<640x128xf32, #tpu.memory_space<hbm>>)
      tpu.yield
    }) : () -> ()
    return
  }
}

module attributes {stable_mosaic.version = 14 : i64} {
  func.func @_tc_norm_mm_body(%arg0: i32, %arg1: memref<512x128xf32, #tpu.memory_space<vmem>>, %arg2: memref<128x128xf32, #tpu.memory_space<vmem>>, %arg3: memref<2x512x128xf32, #tpu.memory_space<vmem>>, %arg4: memref<512x128xf32, #tpu.memory_space<vmem>>, %arg5: memref<512x1xf32, #tpu.memory_space<vmem>>) attributes {dimension_semantics = [#tpu.dimension_semantics<arbitrary>], iteration_bounds = array<i64: 20>, scalar_prefetch = 0 : i64, scratch_operands = 0 : i64, tpu.core_type = #tpu.core_type<tc>, window_params = [{transform_indices = @transform_0, window_bounds = array<i64: 512, 128>}, {pipeline_mode = #tpu.pipeline_mode<synchronous>, transform_indices = @transform_1, window_bounds = array<i64: 128, 128>}, {transform_indices = @transform_2, window_bounds = array<i64: 2, 512, 128>}, {transform_indices = @transform_3, window_bounds = array<i64: 512, 128>}, {transform_indices = @transform_4, window_bounds = array<i64: 512, 1>}]} {
    %get3A = arith.constant 0 : index
    %get3A_0 = arith.constant 0 : index
    %get3A_1 = arith.constant 0 : index
    %get3A_2 = vector.load %arg3[%get3A, %get3A_0, %get3A_1] : memref<2x512x128xf32, #tpu.memory_space<vmem>>, vector<1x512x128xf32>
    %get3A_3 = vector.shape_cast %get3A_2 : vector<1x512x128xf32> to vector<512x128xf32>
    %slice3A = vector.extract_strided_slice %get3A_3 {offsets = [0, 0], sizes = [512, 1], strides = [1, 1]} : vector<512x128xf32> to vector<512x1xf32>
    %get3A_4 = arith.constant 1 : index
    %get3A_5 = arith.constant 0 : index
    %get3A_6 = arith.constant 0 : index
    %get3A_7 = vector.load %arg3[%get3A_4, %get3A_5, %get3A_6] : memref<2x512x128xf32, #tpu.memory_space<vmem>>, vector<1x512x128xf32>
    %get3A_8 = vector.shape_cast %get3A_7 : vector<1x512x128xf32> to vector<512x128xf32>
    %slice3A_9 = vector.extract_strided_slice %get3A_8 {offsets = [0, 0], sizes = [512, 1], strides = [1, 1]} : vector<512x128xf32> to vector<512x1xf32>
    %add3A = arith.addf %slice3A, %slice3A_9 : vector<512x1xf32>
    %add3A_10 = arith.constant 1.000000e+00 : f32
    %add3A_11 = vector.broadcast %add3A_10 : f32 to vector<512x1xf32>
    %add3A_12 = arith.addf %add3A, %add3A_11 : vector<512x1xf32>
    %rsqrt3A = math.rsqrt %add3A_12 : vector<512x1xf32>
    %swap3A = arith.constant 0 : index
    %swap3A_13 = arith.constant 0 : index
    %swap3A_14 = vector.load %arg5[%swap3A, %swap3A_13] : memref<512x1xf32, #tpu.memory_space<vmem>>, vector<512x1xf32>
    tpu.vector_store %arg5[%swap3A, %swap3A_13], %rsqrt3A {strides = array<i32>} : memref<512x1xf32, #tpu.memory_space<vmem>>, vector<512x1xf32>,
    %get3A_15 = arith.constant 0 : index
    %get3A_16 = arith.constant 0 : index
    %get3A_17 = vector.load %arg1[%get3A_15, %get3A_16] : memref<512x128xf32, #tpu.memory_space<vmem>>, vector<512x128xf32>
    %get3A_18 = arith.constant 0 : index
    %get3A_19 = arith.constant 0 : index
    %get3A_20 = vector.load %arg2[%get3A_18, %get3A_19] : memref<128x128xf32, #tpu.memory_space<vmem>>, vector<128x128xf32>
    %dot_general3A = arith.constant dense<0.000000e+00> : vector<512x128xf32>
    %dot_general3A_21 = tpu.matmul %get3A_17, %get3A_20, %dot_general3A {dimension_numbers = #tpu.dot_dimension_numbers<[1], [0], [0], [1], [0, 0, 1, 1], [], []>, transpose_lhs_hint = false} : vector<512x128xf32>, vector<128x128xf32>, vector<512x128xf32> -> vector<512x128xf32>
    %mul3A = vector.broadcast %rsqrt3A : vector<512x1xf32> to vector<512x128xf32>
    %mul3A_22 = arith.mulf %dot_general3A_21, %mul3A : vector<512x128xf32>
    %swap3A_23 = arith.constant 0 : index
    %swap3A_24 = arith.constant 0 : index
    %swap3A_25 = vector.load %arg4[%swap3A_23, %swap3A_24] : memref<512x128xf32, #tpu.memory_space<vmem>>, vector<512x128xf32>
    tpu.vector_store %arg4[%swap3A_23, %swap3A_24], %mul3A_22 {strides = array<i32>} : memref<512x128xf32, #tpu.memory_space<vmem>>, vector<512x128xf32>,
    return
  }
  func.func @transform_0(%arg0: i32) -> (i32, i32) {
    %c0_i32 = arith.constant 0 : i32
    %c0_i32_0 = arith.constant 0 : i32
    return %arg0, %c0_i32 : i32, i32
  }
  func.func @transform_1(%arg0: i32) -> (i32, i32) {
    %c0_i32 = arith.constant 0 : i32
    %c0_i32_0 = arith.constant 0 : i32
    %c0_i32_1 = arith.constant 0 : i32
    return %c0_i32, %c0_i32_0 : i32, i32
  }
  func.func @transform_2(%arg0: i32) -> (i32, i32, i32) {
    %c0_i32 = arith.constant 0 : i32
    %c0_i32_0 = arith.constant 0 : i32
    %c0_i32_1 = arith.constant 0 : i32
    return %c0_i32, %arg0, %c0_i32_0 : i32, i32, i32
  }
  func.func @transform_3(%arg0: i32) -> (i32, i32) {
    %c0_i32 = arith.constant 0 : i32
    %c0_i32_0 = arith.constant 0 : i32
    return %arg0, %c0_i32 : i32, i32
  }
  func.func @transform_4(%arg0: i32) -> (i32, i32) {
    %c0_i32 = arith.constant 0 : i32
    %c0_i32_0 = arith.constant 0 : i32
    return %arg0, %c0_i32 : i32, i32
  }
}

module attributes {stable_mosaic.version = 14 : i64} {
  func.func @_tc_mid_body(%arg0: i32, %arg1: memref<2x512x128xf32, #tpu.memory_space<vmem>>, %arg2: memref<512x128xf32, #tpu.memory_space<vmem>>, %arg3: memref<512x1xf32, #tpu.memory_space<vmem>>, %arg4: memref<1x128xf32, #tpu.memory_space<vmem>>, %arg5: memref<128x128xf32, #tpu.memory_space<vmem>>, %arg6: memref<512x128xf32, #tpu.memory_space<vmem>>) attributes {dimension_semantics = [#tpu.dimension_semantics<arbitrary>], iteration_bounds = array<i64: 20>, scalar_prefetch = 0 : i64, scratch_operands = 0 : i64, tpu.core_type = #tpu.core_type<tc>, window_params = [{transform_indices = @transform_0, window_bounds = array<i64: 2, 512, 128>}, {transform_indices = @transform_1, window_bounds = array<i64: 512, 128>}, {transform_indices = @transform_2, window_bounds = array<i64: 512, 1>}, {pipeline_mode = #tpu.pipeline_mode<synchronous>, transform_indices = @transform_3, window_bounds = array<i64: 1, 128>}, {pipeline_mode = #tpu.pipeline_mode<synchronous>, transform_indices = @transform_4, window_bounds = array<i64: 128, 128>}, {transform_indices = @transform_5, window_bounds = array<i64: 512, 128>}]} {
    %get3A = arith.constant 0 : index
    %get3A_0 = arith.constant 0 : index
    %get3A_1 = vector.load %arg3[%get3A, %get3A_0] : memref<512x1xf32, #tpu.memory_space<vmem>>, vector<512x1xf32>
    %get3A_2 = arith.constant 0 : index
    %get3A_3 = arith.constant 0 : index
    %get3A_4 = arith.constant 0 : index
    %get3A_5 = vector.load %arg1[%get3A_2, %get3A_3, %get3A_4] : memref<2x512x128xf32, #tpu.memory_space<vmem>>, vector<1x512x128xf32>
    %get3A_6 = vector.shape_cast %get3A_5 : vector<1x512x128xf32> to vector<512x128xf32>
    %get3A_7 = arith.constant 1 : index
    %get3A_8 = arith.constant 0 : index
    %get3A_9 = arith.constant 0 : index
    %get3A_10 = vector.load %arg1[%get3A_7, %get3A_8, %get3A_9] : memref<2x512x128xf32, #tpu.memory_space<vmem>>, vector<1x512x128xf32>
    %get3A_11 = vector.shape_cast %get3A_10 : vector<1x512x128xf32> to vector<512x128xf32>
    %add3A = arith.addf %get3A_6, %get3A_11 : vector<512x128xf32>
    %get3A_12 = arith.constant 0 : index
    %get3A_13 = arith.constant 0 : index
    %get3A_14 = vector.load %arg2[%get3A_12, %get3A_13] : memref<512x128xf32, #tpu.memory_space<vmem>>, vector<512x128xf32>
    %add3A_15 = arith.addf %add3A, %get3A_14 : vector<512x128xf32>
    %mul3A = vector.broadcast %get3A_1 : vector<512x1xf32> to vector<512x128xf32>
    %mul3A_16 = arith.mulf %mul3A, %add3A_15 : vector<512x128xf32>
    %get3A_17 = arith.constant 0 : index
    %get3A_18 = arith.constant 0 : index
    %get3A_19 = vector.load %arg4[%get3A_17, %get3A_18] : memref<1x128xf32, #tpu.memory_space<vmem>>, vector<1x128xf32>
    %add3A_20 = vector.broadcast %get3A_19 : vector<1x128xf32> to vector<512x128xf32>
    %add3A_21 = arith.addf %mul3A_16, %add3A_20 : vector<512x128xf32>
    %max3A = arith.constant 0.000000e+00 : f32
    %max3A_22 = vector.broadcast %max3A : f32 to vector<512x128xf32>
    %max3A_23 = arith.maximumf %add3A_21, %max3A_22 : vector<512x128xf32>
    %get3A_24 = arith.constant 0 : index
    %get3A_25 = arith.constant 0 : index
    %get3A_26 = vector.load %arg5[%get3A_24, %get3A_25] : memref<128x128xf32, #tpu.memory_space<vmem>>, vector<128x128xf32>
    %dot_general3A = arith.constant dense<0.000000e+00> : vector<512x128xf32>
    %dot_general3A_27 = tpu.matmul %max3A_23, %get3A_26, %dot_general3A {dimension_numbers = #tpu.dot_dimension_numbers<[1], [0], [0], [1], [0, 0, 1, 1], [], []>, transpose_lhs_hint = false} : vector<512x128xf32>, vector<128x128xf32>, vector<512x128xf32> -> vector<512x128xf32>
    %mul3A_28 = vector.broadcast %get3A_1 : vector<512x1xf32> to vector<512x128xf32>
    %mul3A_29 = arith.mulf %dot_general3A_27, %mul3A_28 : vector<512x128xf32>
    %swap3A = arith.constant 0 : index
    %swap3A_30 = arith.constant 0 : index
    %swap3A_31 = vector.load %arg6[%swap3A, %swap3A_30] : memref<512x128xf32, #tpu.memory_space<vmem>>, vector<512x128xf32>
    tpu.vector_store %arg6[%swap3A, %swap3A_30], %mul3A_29 {strides = array<i32>} : memref<512x128xf32, #tpu.memory_space<vmem>>, vector<512x128xf32>,
    return
  }
  func.func @transform_0(%arg0: i32) -> (i32, i32, i32) {
    %c0_i32 = arith.constant 0 : i32
    %c0_i32_0 = arith.constant 0 : i32
    %c0_i32_1 = arith.constant 0 : i32
    return %c0_i32, %arg0, %c0_i32_0 : i32, i32, i32
  }
  func.func @transform_1(%arg0: i32) -> (i32, i32) {
    %c0_i32 = arith.constant 0 : i32
    %c0_i32_0 = arith.constant 0 : i32
    return %arg0, %c0_i32 : i32, i32
  }
  func.func @transform_2(%arg0: i32) -> (i32, i32) {
    %c0_i32 = arith.constant 0 : i32
    %c0_i32_0 = arith.constant 0 : i32
    return %arg0, %c0_i32 : i32, i32
  }
  func.func @transform_3(%arg0: i32) -> (i32, i32) {
    %c0_i32 = arith.constant 0 : i32
    %c0_i32_0 = arith.constant 0 : i32
    %c0_i32_1 = arith.constant 0 : i32
    return %c0_i32, %c0_i32_0 : i32, i32
  }
  func.func @transform_4(%arg0: i32) -> (i32, i32) {
    %c0_i32 = arith.constant 0 : i32
    %c0_i32_0 = arith.constant 0 : i32
    %c0_i32_1 = arith.constant 0 : i32
    return %c0_i32, %c0_i32_0 : i32, i32
  }
  func.func @transform_5(%arg0: i32) -> (i32, i32) {
    %c0_i32 = arith.constant 0 : i32
    %c0_i32_0 = arith.constant 0 : i32
    return %arg0, %c0_i32 : i32, i32
  }
}

module attributes {stable_mosaic.version = 14 : i64} {
  func.func @_tc_final_body(%arg0: i32, %arg1: memref<2x512x128xf32, #tpu.memory_space<vmem>>, %arg2: memref<512x128xf32, #tpu.memory_space<vmem>>, %arg3: memref<512x1xf32, #tpu.memory_space<vmem>>, %arg4: memref<1x128xf32, #tpu.memory_space<vmem>>, %arg5: memref<512x128xf32, #tpu.memory_space<vmem>>, %arg6: memref<512x128xf32, #tpu.memory_space<vmem>>) attributes {dimension_semantics = [#tpu.dimension_semantics<arbitrary>], iteration_bounds = array<i64: 20>, scalar_prefetch = 0 : i64, scratch_operands = 0 : i64, tpu.core_type = #tpu.core_type<tc>, window_params = [{transform_indices = @transform_0, window_bounds = array<i64: 2, 512, 128>}, {transform_indices = @transform_1, window_bounds = array<i64: 512, 128>}, {transform_indices = @transform_2, window_bounds = array<i64: 512, 1>}, {pipeline_mode = #tpu.pipeline_mode<synchronous>, transform_indices = @transform_3, window_bounds = array<i64: 1, 128>}, {transform_indices = @transform_4, window_bounds = array<i64: 512, 128>}, {transform_indices = @transform_5, window_bounds = array<i64: 512, 128>}]} {
    %get3A = arith.constant 0 : index
    %get3A_0 = arith.constant 0 : index
    %get3A_1 = vector.load %arg3[%get3A, %get3A_0] : memref<512x1xf32, #tpu.memory_space<vmem>>, vector<512x1xf32>
    %get3A_2 = arith.constant 0 : index
    %get3A_3 = arith.constant 0 : index
    %get3A_4 = arith.constant 0 : index
    %get3A_5 = vector.load %arg1[%get3A_2, %get3A_3, %get3A_4] : memref<2x512x128xf32, #tpu.memory_space<vmem>>, vector<1x512x128xf32>
    %get3A_6 = vector.shape_cast %get3A_5 : vector<1x512x128xf32> to vector<512x128xf32>
    %get3A_7 = arith.constant 1 : index
    %get3A_8 = arith.constant 0 : index
    %get3A_9 = arith.constant 0 : index
    %get3A_10 = vector.load %arg1[%get3A_7, %get3A_8, %get3A_9] : memref<2x512x128xf32, #tpu.memory_space<vmem>>, vector<1x512x128xf32>
    %get3A_11 = vector.shape_cast %get3A_10 : vector<1x512x128xf32> to vector<512x128xf32>
    %add3A = arith.addf %get3A_6, %get3A_11 : vector<512x128xf32>
    %get3A_12 = arith.constant 0 : index
    %get3A_13 = arith.constant 0 : index
    %get3A_14 = vector.load %arg2[%get3A_12, %get3A_13] : memref<512x128xf32, #tpu.memory_space<vmem>>, vector<512x128xf32>
    %add3A_15 = arith.addf %add3A, %get3A_14 : vector<512x128xf32>
    %mul3A = vector.broadcast %get3A_1 : vector<512x1xf32> to vector<512x128xf32>
    %mul3A_16 = arith.mulf %mul3A, %add3A_15 : vector<512x128xf32>
    %get3A_17 = arith.constant 0 : index
    %get3A_18 = arith.constant 0 : index
    %get3A_19 = vector.load %arg4[%get3A_17, %get3A_18] : memref<1x128xf32, #tpu.memory_space<vmem>>, vector<1x128xf32>
    %add3A_20 = vector.broadcast %get3A_19 : vector<1x128xf32> to vector<512x128xf32>
    %add3A_21 = arith.addf %mul3A_16, %add3A_20 : vector<512x128xf32>
    %get3A_22 = arith.constant 0 : index
    %get3A_23 = arith.constant 0 : index
    %get3A_24 = vector.load %arg5[%get3A_22, %get3A_23] : memref<512x128xf32, #tpu.memory_space<vmem>>, vector<512x128xf32>
    %add3A_25 = arith.addf %add3A_21, %get3A_24 : vector<512x128xf32>
    %max3A = arith.constant 0.000000e+00 : f32
    %max3A_26 = vector.broadcast %max3A : f32 to vector<512x128xf32>
    %max3A_27 = arith.maximumf %add3A_25, %max3A_26 : vector<512x128xf32>
    %swap3A = arith.constant 0 : index
    %swap3A_28 = arith.constant 0 : index
    %swap3A_29 = vector.load %arg6[%swap3A, %swap3A_28] : memref<512x128xf32, #tpu.memory_space<vmem>>, vector<512x128xf32>
    tpu.vector_store %arg6[%swap3A, %swap3A_28], %max3A_27 {strides = array<i32>} : memref<512x128xf32, #tpu.memory_space<vmem>>, vector<512x128xf32>,
    return
  }
  func.func @transform_0(%arg0: i32) -> (i32, i32, i32) {
    %c0_i32 = arith.constant 0 : i32
    %c0_i32_0 = arith.constant 0 : i32
    %c0_i32_1 = arith.constant 0 : i32
    return %c0_i32, %arg0, %c0_i32_0 : i32, i32, i32
  }
  func.func @transform_1(%arg0: i32) -> (i32, i32) {
    %c0_i32 = arith.constant 0 : i32
    %c0_i32_0 = arith.constant 0 : i32
    return %arg0, %c0_i32 : i32, i32
  }
  func.func @transform_2(%arg0: i32) -> (i32, i32) {
    %c0_i32 = arith.constant 0 : i32
    %c0_i32_0 = arith.constant 0 : i32
    return %arg0, %c0_i32 : i32, i32
  }
  func.func @transform_3(%arg0: i32) -> (i32, i32) {
    %c0_i32 = arith.constant 0 : i32
    %c0_i32_0 = arith.constant 0 : i32
    %c0_i32_1 = arith.constant 0 : i32
    return %c0_i32, %c0_i32_0 : i32, i32
  }
  func.func @transform_4(%arg0: i32) -> (i32, i32) {
    %c0_i32 = arith.constant 0 : i32
    %c0_i32_0 = arith.constant 0 : i32
    return %arg0, %c0_i32 : i32, i32
  }
  func.func @transform_5(%arg0: i32) -> (i32, i32) {
    %c0_i32 = arith.constant 0 : i32
    %c0_i32_0 = arith.constant 0 : i32
    return %arg0, %c0_i32 : i32, i32
  }
}

</mosaic_0001>

<sc_bundles>
// kernel: kernel.11.cloned.1.call-start
scs
__scs_entry_jumppad:
0x0: {  	(pc) =	sbr.rel $0x88, $3  }
0x1: {  	(tag) =	ssettag $0x0;
	lr =	simm.s32 $0x1  }
0x2: {  	[smem:$0x3F9B] =	sst lr;
	_ =	strace $0xD0000000  }
0x3: {  	_ = 	snop  }
0x4: {  	_ = 	snop  }
0x5: {  	_ = 	snop  }
0x6: {  	_ = 	snop  }
0x7: {  	_ = 	snop  }
__scs_overlays_trampoline_lowered:
0x8: {  	[smem:$0x3FAA] =	sst s0  }
0x9: {  	[smem:$0x3FAB] =	sst s1  }
0xa: {  	[smem:$0x3FAC] =	sst s2  }
0xb: {  	[smem:$0x3FAD] =	sst s3  }
0xc: {  	[smem:$0x3FAE] =	sst s4  }
0xd: {  	[smem:$0x3FAF] =	sst s5  }
0xe: {  	[smem:$0x3FB0] =	sst s6  }
0xf: {  	[smem:$0x3FB1] =	sst s7  }
0x10: {  	[smem:$0x3FB2] =	sst s8  }
0x11: {  	[smem:$0x3FB3] =	sst s9;
	s0 =	simm.s32 @!p0 $0x0  }
0x12: {  	s1 =	sld [smem:$0x3F99];
	s0 =	simm.s32 @p0 $0x1  }
0x13: {  	[smem:$0x3FB4] =	sst s0;
	s0 =	simm.s32 @!p1 $0x0  }
0x14: {  	s2 =	sld [smem:$0x3F98];
	s0 =	simm.s32 @p1 $0x1  }
0x15: {  	[smem:$0x3FB5] =	sst s0;
	s0 =	simm.s32 @!p2 $0x0  }
0x16: {  	s3 =	sld [smem:$0x3FDB];
	s0 =	simm.s32 @p2 $0x1  }
0x17: {  	s4 =	simm.s32 $0x1BF5;
	[smem:$0x3FB7] =	sst s0  }
0x18: {  	s0 =	sld [smem:$0x3F9A];
	_ =	swait.ge [sflag:s4], $0x0  }
0x19: {  	s7 =	sld [smem:$0x3F9B]  }
0x1a: {  	s8 =	sadd.s32 $0xFFFFE003, lr  }
0x1b: {  	s9 =	sadd.s32 $0xFFFFFEF7, lr;
	s5 =	simm.s32 $0xFFFFFFFF;
	p2 =	slt.u32 s8, $0xFFFFF086  }
0x1c: {  	p1 =	slt.u32 s9, $0xF7A;
	s5 =	simm.s32 @!p2 $0x0  }
0x1d: {  	s5 =	simm.s32 @p1 $0x1;
	p0 =	seq.s32 s7, s2  }
0x1e: {  	s7 =	smul.u32 @!p0 $0xF7A, s2;
	p2 =	seq.s32 @!p0 s5, $0x0  }
0x1f: {  	s9 =	smul.u32 $0xF7A, s1;
	s8 =	simm.s32 @!p0 $0x1BF5;
	p2 =	por !p2, p0  }
0x20: {  	[sflag:s8] =	ssyncset.s32 @!p0 $0xFFFFF086;
	s6 =	sadd.s32 @!p0 s3, s7;
	s7 =	simm.s32 @!p0 $0x108  }
0x21: {  	s3 =	sadd.s32 s3, s9;
	s6 =	sadd.s32 @!p0 $0x88, s6;
	s7 =	simm.s32 @p2 $0x1082  }
0x22: {  	[simem:s7], [sflag:s8] =	dma.local @!p0 [hbm:s6], $0xF7A  }
0x23: {  	s9 =	sor.u32 $0xD0000000, s2;
	s6 =	simm.s32 $0x108;
	_ =	swait.ge @!p0 [sflag:s8], $0x0  }
0x24: {  	s3 =	sadd.s32 $0x88, s3;
	s6 =	simm.s32 @!p1 $0x1082;
	[sflag:s4] =	ssyncset.s32 $0xFFFFF086  }
0x25: {  	[simem:s6], [sflag:s4] =	dma.local [hbm:s3], $0xF7A  }
0x26: {  	[smem:$0x3F9B] =	sst s1;
	(tag) =	ssettag s2;
	_ =	strace s9  }
0x27: {  	s1 =	sld [smem:$0x3FAB]  }
0x28: {  	s2 =	sld [smem:$0x3FAC]  }
0x29: {  	s4 =	sld [smem:$0x3FAE]  }
0x2a: {  	p0 =	seq.s32 s5, $0x0;
	s5 =	sld [smem:$0x3FAF]  }
0x2b: {  	s6 =	sld [smem:$0x3FB0]  }
0x2c: {  	s7 =	sld [smem:$0x3FB1]  }
0x2d: {  	s3 =	simm.s32 $0x108;
	s8 =	sld [smem:$0x3FB2]  }
0x2e: {  	s3 =	simm.s32 @!p0 $0x1082;
	s9 =	sld [smem:$0x3FB3]  }
0x2f: {  	lr =	sadd.s32 s0, s3;
	s0 =	sld [smem:$0x3FAA]  }
0x30: {  	s3 =	sld [smem:$0x3FAD]  }
0x31: {  	[smem:$0x3FB6] =	sst s10  }
0x32: {  	s10 =	sld [smem:$0x3FB4];
	_ =	sdelay $0x3  }
0x33: {  	p0 =	seq.s32 s10, $0x1;
	s10 =	sld [smem:$0x3FB6];
	_ =	sdelay $0x3  }
0x34: {  	[smem:$0x3FB6] =	sst s10  }
0x35: {  	s10 =	sld [smem:$0x3FB5];
	_ =	sdelay $0x3  }
0x36: {  	p1 =	seq.s32 s10, $0x1;
	s10 =	sld [smem:$0x3FB6];
	_ =	sdelay $0x3  }
0x37: {  	[smem:$0x3FB6] =	sst s10  }
0x38: {  	s10 =	sld [smem:$0x3FB7]  }
0x39: {  	_ = 	snop;
	(pc) =	sbr.ind lr, $3  }
0x3a: {  	_ = 	snop  }
0x3b: {  	_ = 	snop  }
0x3c: {  	p2 =	seq.s32 s10, $0x1;
	s10 =	sld [smem:$0x3FB6]  }
0x3d: {  	_ =	shalt  }
0x3e: {  	_ =	shalt  }
0x3f: {  	_ =	shalt  }
0x40: {  	_ =	shalt  }
0x41: {  	_ =	shalt  }
0x42: {  	_ =	shalt  }
0x43: {  	_ =	shalt  }
0x44: {  	_ =	shalt  }
0x45: {  	_ =	shalt  }
0x46: {  	_ =	shalt  }
0x47: {  	_ =	shalt  }
0x48: {  	_ =	shalt  }
0x49: {  	_ =	shalt  }
0x4a: {  	_ =	shalt  }
0x4b: {  	_ =	shalt  }
0x4c: {  	_ =	shalt  }
0x4d: {  	_ =	shalt  }
0x4e: {  	_ =	shalt  }
0x4f: {  	_ =	shalt  }
0x50: {  	_ =	shalt  }
0x51: {  	_ =	shalt  }
0x52: {  	_ =	shalt  }
0x53: {  	_ =	shalt  }
0x54: {  	_ =	shalt  }
0x55: {  	_ =	shalt  }
0x56: {  	_ =	shalt  }
0x57: {  	_ =	shalt  }
0x58: {  	_ =	shalt  }
0x59: {  	_ =	shalt  }
0x5a: {  	_ =	shalt  }
0x5b: {  	_ =	shalt  }
0x5c: {  	_ =	shalt  }
0x5d: {  	_ =	shalt  }
0x5e: {  	_ =	shalt  }
0x5f: {  	_ =	shalt  }
0x60: {  	_ =	shalt  }
0x61: {  	_ =	shalt  }
0x62: {  	_ =	shalt  }
0x63: {  	_ =	shalt  }
0x64: {  	_ =	shalt  }
0x65: {  	_ =	shalt  }
0x66: {  	_ =	shalt  }
0x67: {  	_ =	shalt  }
0x68: {  	_ =	shalt  }
0x69: {  	_ =	shalt  }
0x6a: {  	_ =	shalt  }
0x6b: {  	_ =	shalt  }
0x6c: {  	_ =	shalt  }
0x6d: {  	_ =	shalt  }
0x6e: {  	_ =	shalt  }
0x6f: {  	_ =	shalt  }
0x70: {  	_ =	shalt  }
0x71: {  	_ =	shalt  }
0x72: {  	_ =	shalt  }
0x73: {  	_ =	shalt  }
0x74: {  	_ =	shalt  }
0x75: {  	_ =	shalt  }
0x76: {  	_ =	shalt  }
0x77: {  	_ =	shalt  }
0x78: {  	_ =	shalt  }
0x79: {  	_ =	shalt  }
0x7a: {  	_ =	shalt  }
0x7b: {  	_ =	shalt  }
0x7c: {  	_ =	shalt  }
0x7d: {  	_ =	shalt  }
0x7e: {  	_ =	shalt  }
0x7f: {  	_ =	shalt  }
0x80: {  	_ =	shalt  }
0x81: {  	_ =	shalt  }
0x82: {  	_ =	shalt  }
0x83: {  	_ =	shalt  }
0x84: {  	_ =	shalt  }
0x85: {  	_ =	shalt  }
0x86: {  	_ =	shalt  }
0x87: {  	_ =	shalt  }
.Lfunc_end0:
.L_simem_size_0:
called_computation.1_lowered:
.L_overlay_start_0:
0x88: {  	s2 =	sld [smem:$0x3FD9]  }
0x89: {  	s3 =	sld [smem:$0x3FFE];
	_ =	sdelay $0x1  }
0x8a: {  	s1 =	srdreg.scid  }
0x8b: {  	s0 =	sand.u32 $0x1, s1  }
0x8c: {  	s17 =	sshll.u32 s0, $0xA;
	s2 =	sadd.s32 s3, s2  }
0x8d: {  	s2 =	sadd.s32 s2, s17  }
0x8e: {  	[smem:$0x3FC2] =	sst s2  }
0x8f: {  	_ = 	snop  }
0x90: {  	s2 =	sld [smem:$0x3FD0];
	(tm) =	ssettm $0x1  }
0x91: {  	s18 =	sld [smem:$0x3FFB];
	_ =	sdelay $0x3  }
0x92: {  	_ =	strace s18  }
0x93: {  	s3 =	sld [smem:$0x3FFC];
	_ =	sdelay $0x3  }
0x94: {  	_ =	strace s3  }
0x95: {  	s3 =	sld [smem:$0x3FFD];
	_ =	sdelay $0x3  }
0x96: {  	_ =	strace s3  }
0x97: {  	_ =	strace $0x8FFFFFFF  }
0x98: {  	s19 =	sld [smem:$0x3FDB];
	_ =	sdelay $0x1  }
0x99: {  	s4 =	simm.s32 $_scs_section_size  }
0x9a: {  	s5 =	simm.s32 $_size__tile_overlayer_lowered;
	s6 =	simm.s32 $_tile_overlayer_lowered  }
0x9b: {  	s22 =	simm.s32 $0x1BFF;
	s21 =	sshll.u32 s6, $0x1;
	s3 =	sadd.s32 s4, s19  }
0x9c: {  	s7 =	simm.s32 $0x0;
	s20 =	sshll.u32 s5, $0x1;
	s5 =	sadd.s32 s21, s3  }
0x9d: {  	[timem:s7], [sflag:s22] =	dma.local [hbm:s5], s20  }
0x9e: {  	_ =	swait.ge [sflag:s22], s20  }
0x9f: {  	s4 =	ssub.s32 $0x0, s20;
	[sflag:s22] =	ssyncset.done $0x0  }
0xa0: {  	[sflag:s22] =	ssyncadd.s32 s4;
	_ =	sdelay $0x1  }
0xa1: {  	s23 =	simm.s32 $0x1B8B  }
0xa2: {  	_ =	swait.ge [sflag:s23], $0x1  }
0xa3: {  	[sflag:s23] =	ssyncset.done $0x0  }
0xa4: {  	s25 =	simm.s32 $0x1B8E;
	s24 =	sld [smem:$0x3FFE];
	[sflag:s23] =	ssyncadd.s32 $0xFFFFFFFF  }
0xa5: {  	s26 =	simm.s32 $execute0_lowered;
	[smem:$0x3FD2] =	sst s25  }
0xa6: {  	s5 =	sshll.u32 s26, $0x1;
	_ =	strace $0x80000049;
	[dreg:$0x1] =	wrdreg $0xFFFFFFFF  }
0xa7: {  	s28 =	simm.s32 $_size_execute0_lowered;
	s3 =	sadd.s32 s3, s5;
	[dreg:$0x0] =	wrdreg $0x0  }
0xa8: {  	s5 =	sshll.u32 s28, $0x1;
	[dreg:$0x2] =	wrdreg s3  }
0xa9: {  	[dreg:$0x3] =	wrdreg s5  }
0xaa: {  	[dreg:$0x4] =	wrdreg $0xC0  }
0xab: {  	_ =	task [dreg:s7], $0x5FFFF  }
0xac: {  	[dreg:$0x1] =	wrdreg $0xFFFFFFFF  }
0xad: {  	[dreg:$0x0] =	wrdreg $0x60  }
0xae: {  	[dreg:$0x2] =	wrdreg s2  }
0xaf: {  	[dreg:$0x3] =	wrdreg s24  }
0xb0: {  	[dreg:$0x4] =	wrdreg $0x91000  }
0xb1: {  	[dreg:$0x5] =	wrdreg $0x9  }
0xb2: {  	_ =	task.clear_ibuf [dreg:s7], $0x6FFFF;
	_ =	strace $0x90000049  }
0xb3: {  	s29 =	simm.s32 $0x9;
	_ =	strace $0x8000004B  }
0xb4: {  	_ =	swait.ge [sflag:s29], $0x1  }
0xb5: {  	[sflag:s29] =	ssyncadd.s32 $0xFFFFFFFF  }
0xb6: {  	_ =	strace $0x9000004B  }
0xb7: {  	_ =	sfence  }
0xb8: {  	s30 =	sld [smem:$0x0];
	_ =	sdelay $0x2  }
0xb9: {  	s31 =	sshll.u32 s1, $0xD;
	s1 =	sshrl.u32 s1, $0x2  }
0xba: {  	s3 =	sand.u32 $0x4000, s31;
	s1 =	sadd.s32 s1, s30  }
0xbb: {  	s0 =	sor.u32 s3, s0;
	s1 =	sshll.u32 s1, $0x11  }
0xbc: {  	s0 =	sor.u32 s1, s0  }
0xbd: {  	s0 =	sadd.s32 $0x8F2B, s0  }
0xbe: {  	[sflag:s0] =	ssyncadd.remote.s32 $0x1  }
0xbf: {  	_ =	sfence.sel $0xFFFF  }
0xc0: {  	[dreg:$0x0] =	wrdreg $0xFFFFFFFF;
	(pc) =	sbr.abs _section_cstart, $3  }
0xc1: {  	[dreg:$0x1] =	wrdreg $0xFFFFFFFF  }
0xc2: {  	_ =	task.clear_ibuf [dreg:s7], $0x2FFFF;
	_ =	strace $0x9FFFFFFF  }
0xc3: {  	(tm) =	ssettm $0x7FFFFFFF  }
tec
execute0_lowered:
.L_overlay_start_1:
0x0: {  	(tag) =	ssettag $0x1  }
0x1: {  	s1 =	rddreg [dreg:$0x0]  }
0x2: {  	s0 =	rddreg [dreg:$0x1];
	s2 =	srdreg.scid  }
0x3: {  	s3 =	rddreg [dreg:$0x2];
	s11 =	stileid.u32  }
0x4: {  	s4 =	simm.s32 $0x0;
	s18 =	simm.s32 $0x4000;
	s19 =	simm.s32 $0x2  }
0x5: {  	s20 =	simm.s32 $0x50;
	s28 =	simm.s32 $0x3;
	s29 =	simm.s32 $0x6  }
0x6: {  	s30 =	simm.s32 $0x4;
	s31 =	simm.s32 $0x0;
	s8 =	smul.u32 $0x14000, s11  }
0x7: {  	s2 =	sand.u32 $0x1, s2;
	[smem:$0x7FF] =	sst s4;
	s22 =	smul.u32 $0x50000, s11  }
0x8: {  	s9 =	sadd.s32 $0x2A00, s0;
	s24 =	sshll.u32 s11, $0x6;
	s12 =	smul.u32 $0x3E80, s11  }
0x9: {  	s5 =	sshll.u32 s2, $0x4;
	s7 =	smul.u32 $0x140000, s2;
	_ =	strace $0x8000004A  }
0xa: {  	[dreg:$0x4] =	wrdreg s9;
	s21 =	ssub.s32 $0x2, s2;
	s2 =	smul.u32 $0x3E800, s2  }
0xb: {  	[dreg:$0x5] =	wrdreg s24;
	s6 =	sor.u32 s11, s5;
	s23 =	sshrl.u32 s21, $0x1  }
0xc: {  	s9 =	sshrl.u32 s22, $0x2;
	s22 =	simm.s32 $0x4080;
	s5 =	sshll.u32 s6, $0xB  }
0xd: {  	s7 =	sadd.s32 s8, s7;
	s6 =	smul.u32 $0x3E80, s6;
	s8 =	ssub.s32 s21, s23  }
0xe: {  	s17 =	sadd.s32 s9, s3;
	s2 =	sadd.s32 s12, s2;
	s21 =	simm.s32 $0x4100  }
0xf: {  	s23 =	simm.s32 $0x7;
	s10 =	sadd.s32 s5, s0;
	s5 =	sadd.s32 $0x55200, s0  }
0x10: {  	s7 =	sshrl.u32 s7, $0x3;
	s13 =	smax.u32 s8, $0x1;
	s26 =	sadd.s32 $0x180, s2  }
0x11: {  	s15 =	sadd.s32 $0x100, s2;
	s17 =	sshrl.u32 s17, $0x3;
	s2 =	simm.s32 $0x8  }
0x12: {  	s0 =	sadd.s32 s7, s0;
	s6 =	sshrl.u32 s6, $0x3;
	s7 =	sor.u32 $0x1C07, s24  }
0x13: {  	s25 =	sadd.s32 $0x64C00, s10;
	s24 =	simm.s32 $0x1;
	[dreg:$0x6] =	wrdreg s7  }
0x14: {  	s9 =	sadd.s32 s5, s6;
	[dreg:$0x7] =	wrdreg s25;
	s12 =	sadd.s32 $0x5200, s0  }
0x15: {  	s0 =	sshrl.u32 s26, $0x3;
	s25 =	simm.s32 $0x5;
	s26 =	simm.s32 $0x6900  }
0x16: {  	s11 =	sadd.s32 $0x10, s9;
	s14 =	sadd.s32 $0x7C0, s9;
	s16 =	sadd.s32 s0, s5  }
.LBB2_1:
0x17: {  	s0 =	rddreg [dreg:$0x4]  }
0x18: {  	s6 =	rddreg [dreg:$0x6]  }
0x19: {  	[spmem:s17], [sflag:s6] =	dma.local [hbm:s0], $0x2800  }
0x1a: {  	s0 =	rddreg [dreg:$0x7]  }
0x1b: {  	[tilespmem:s4], [sflag:$0x2] =	stream.linear.gather [hbm4b:s0+s4], $0x3E80, $0x38;
	[tilespmem:$0x1D100] =	vst v63  }
0x1c: {  	_ = 	snop  }
0x1d: {  	[tilespmem:s18], [sflag:$0x5] =	stream.linear.gather [hbm4b:s9+s4], $0x80, $0x38;
	[tilespmem:$0x1D100] =	vst v63  }
0x1e: {  	_ =	swait.ge [sflag:s19], $0x3E80  }
0x1f: {  	[sflag:s19] =	ssyncset.done $0x0  }
0x20: {  	[sflag:s19] =	ssyncadd.s32 $0xFFFFC180  }
0x21: {  	[tilespmem:s21], [sflag:$0x1] =	stream.indirect.gather [hbm4b:s1+s20], $0x80, s4, s20, $0xb8;
	[tilespmem:$0x1D100] =	vst v63  }
0x22: {  	_ = 	snop  }
0x23: {  	[tilespmem:s22], [sflag:$0x6] =	stream.linear.gather [hbm4b:s11+s4], $0x80, $0x38;
	[tilespmem:$0x1D100] =	vst v63  }
0x24: {  	_ =	swait.ge [sflag:s23], $0x2800  }
0x25: {  	[sflag:s23] =	ssyncset.done $0x0  }
0x26: {  	[sflag:s23] =	ssyncadd.s32 $0xFFFFD800  }
0x27: {  	[bflag:$0x0] =	sbarrier.arrive $0xFFFF  }
0x28: {  	_ =	swait.ge [sflag:s24], $0x2800  }
0x29: {  	[sflag:s24] =	ssyncset.done $0x0  }
0x2a: {  	[sflag:s24] =	ssyncadd.s32 $0xFFFFD800  }
0x2b: {  	_ =	swait.ge [sflag:s25], $0x80  }
0x2c: {  	[sflag:s25] =	ssyncset.done $0x0  }
0x2d: {  	[sflag:s25] =	ssyncadd.s32 $0xFFFFFF80  }
0x2e: {  	[spmem:s3] =	stream.indirect.scatter.add.f32 [tilespmem:s21], [sflag:$0x3], $0x80, s18, s20, $0xb8;
	[tilespmem:$0x1D100] =	vst v63  }
0x2f: {  	s7 =	simm.s32 $0x80  }
0x30: {  	[tilespmem:s26], [sflag:$0x2] =	stream.indirect.gather [hbm4b:s1+s20], $0x80, s7, s20, $0xb8;
	[tilespmem:$0x1D100] =	vst v63  }
0x31: {  	_ =	swait.ge [sflag:s28], $0x2800  }
0x32: {  	s8 =	sshrl.u32 s15, $0x3;
	[sflag:s28] =	ssyncset.done $0x0  }
0x33: {  	s0 =	sadd.s32 s5, s8;
	[sflag:s28] =	ssyncadd.s32 $0xFFFFD800  }
0x34: {  	[tilespmem:s18], [sflag:$0x5] =	stream.linear.gather [hbm4b:s0+s4], $0x80, $0x38;
	[tilespmem:$0x1D100] =	vst v63  }
0x35: {  	_ =	swait.ge [sflag:s19], $0x2800  }
0x36: {  	[sflag:s19] =	ssyncset.done $0x0  }
0x37: {  	[sflag:s19] =	ssyncadd.s32 $0xFFFFD800  }
0x38: {  	_ =	swait.ge [sflag:s29], $0x80  }
0x39: {  	[sflag:s29] =	ssyncset.done $0x0  }
0x3a: {  	[sflag:s29] =	ssyncadd.s32 $0xFFFFFF80  }
0x3b: {  	[spmem:s3] =	stream.indirect.scatter.add.f32 [tilespmem:s26], [sflag:$0x4], $0x80, s22, s20, $0xb8;
	[tilespmem:$0x1D100] =	vst v63  }
0x3c: {  	s10 =	simm.s32 $0x100  }
0x3d: {  	[tilespmem:s21], [sflag:$0x1] =	stream.indirect.gather [hbm4b:s1+s20], $0x80, s10, s20, $0xb8;
	[tilespmem:$0x1D100] =	vst v63  }
0x3e: {  	_ =	swait.ge [sflag:s30], $0x2800  }
0x3f: {  	s6 =	sadd.s32 $0x100, s15;
	s8 =	simm.s32 $0x200;
	[sflag:s30] =	ssyncset.done $0x0  }
0x40: {  	s0 =	simm.s32 $0x20;
	s10 =	sadd.s32 $0x0, s16;
	[sflag:s30] =	ssyncadd.s32 $0xFFFFD800  }
.LBB2_2:
0x41: {  	[tilespmem:s22], [sflag:$0x6] =	stream.linear.gather [hbm4b:s10+s4], $0x80, $0x38;
	[tilespmem:$0x1D100] =	vst v63  }
0x42: {  	s10 =	smov.u32 s0  }
0x43: {  	p0 =	sne.s32 s0, $0x780;
	s0 =	sadd.s32 $0x20, s0;
	_ =	swait.ge [sflag:s24], $0x2800  }
0x44: {  	[sflag:s24] =	ssyncset.done $0x0  }
0x45: {  	[sflag:s24] =	ssyncadd.s32 $0xFFFFD800  }
0x46: {  	_ =	swait.ge [sflag:s25], $0x80  }
0x47: {  	[sflag:s25] =	ssyncset.done $0x0  }
0x48: {  	[sflag:s25] =	ssyncadd.s32 $0xFFFFFF80  }
0x49: {  	[spmem:s3] =	stream.indirect.scatter.add.f32 [tilespmem:s21], [sflag:$0x3], $0x80, s18, s20, $0xb8;
	[tilespmem:$0x1D100] =	vst v63  }
0x4a: {  	s7 =	sadd.s32 $0xFFFFFF80, s8  }
0x4b: {  	[tilespmem:s26], [sflag:$0x2] =	stream.indirect.gather [hbm4b:s1+s20], $0x80, s7, s20, $0xb8;
	[tilespmem:$0x1D100] =	vst v63  }
0x4c: {  	_ =	swait.ge [sflag:s28], $0x2800  }
0x4d: {  	s7 =	sshrl.u32 s6, $0x3;
	[sflag:s28] =	ssyncset.done $0x0  }
0x4e: {  	s7 =	sadd.s32 s5, s7;
	[sflag:s28] =	ssyncadd.s32 $0xFFFFD800  }
0x4f: {  	[tilespmem:s18], [sflag:$0x5] =	stream.linear.gather [hbm4b:s7+s4], $0x80, $0x38;
	[tilespmem:$0x1D100] =	vst v63  }
0x50: {  	_ =	swait.ge [sflag:s19], $0x2800  }
0x51: {  	[sflag:s19] =	ssyncset.done $0x0  }
0x52: {  	[sflag:s19] =	ssyncadd.s32 $0xFFFFD800  }
0x53: {  	_ =	swait.ge [sflag:s29], $0x80  }
0x54: {  	[sflag:s29] =	ssyncset.done $0x0  }
0x55: {  	[sflag:s29] =	ssyncadd.s32 $0xFFFFFF80  }
0x56: {  	[spmem:s3] =	stream.indirect.scatter.add.f32 [tilespmem:s26], [sflag:$0x4], $0x80, s22, s20, $0xb8;
	[tilespmem:$0x1D100] =	vst v63  }
.Ltmp0:
0x57: {  	(pc) =	sbr.rel @p0 .LBB2_2-.Ltmp0, $4  }
0x58: {  	[tilespmem:s21], [sflag:$0x1] =	stream.indirect.gather [hbm4b:s1+s20], $0x80, s8, s20, $0xb8;
	[tilespmem:$0x1D100] =	vst v63  }
0x59: {  	_ =	swait.ge [sflag:s30], $0x2800  }
0x5a: {  	s6 =	sadd.s32 $0x100, s6;
	[sflag:s30] =	ssyncset.done $0x0  }
0x5b: {  	s10 =	sadd.s32 s10, s16;
	s8 =	sadd.s32 $0x100, s8;
	[sflag:s30] =	ssyncadd.s32 $0xFFFFD800  }
0x5c: {  	[tilespmem:s22], [sflag:$0x6] =	stream.linear.gather [hbm4b:s10+s4], $0x80, $0x38;
	[tilespmem:$0x1D100] =	vst v63  }
0x5d: {  	_ =	swait.ge [sflag:s24], $0x2800  }
0x5e: {  	[sflag:s24] =	ssyncset.done $0x0  }
0x5f: {  	[sflag:s24] =	ssyncadd.s32 $0xFFFFD800  }
0x60: {  	_ =	swait.ge [sflag:s25], $0x80  }
0x61: {  	[sflag:s25] =	ssyncset.done $0x0  }
0x62: {  	[sflag:s25] =	ssyncadd.s32 $0xFFFFFF80  }
0x63: {  	[spmem:s3] =	stream.indirect.scatter.add.f32 [tilespmem:s21], [sflag:$0x3], $0x80, s18, s20, $0xb8;
	[tilespmem:$0x1D100] =	vst v63  }
0x64: {  	s0 =	simm.s32 $0x3D80  }
0x65: {  	[tilespmem:s26], [sflag:$0x2] =	stream.indirect.gather [hbm4b:s1+s20], $0x80, s0, s20, $0xb8;
	[tilespmem:$0x1D100] =	vst v63  }
0x66: {  	_ =	swait.ge [sflag:s28], $0x2800  }
0x67: {  	[sflag:s28] =	ssyncset.done $0x0  }
0x68: {  	[sflag:s28] =	ssyncadd.s32 $0xFFFFD800  }
0x69: {  	[tilespmem:s18], [sflag:$0x5] =	stream.linear.gather [hbm4b:s14+s4], $0x80, $0x38;
	[tilespmem:$0x1D100] =	vst v63  }
0x6a: {  	_ =	swait.ge [sflag:s19], $0x2800  }
0x6b: {  	[sflag:s19] =	ssyncset.done $0x0  }
0x6c: {  	[sflag:s19] =	ssyncadd.s32 $0xFFFFD800  }
0x6d: {  	_ =	swait.ge [sflag:s29], $0x80  }
0x6e: {  	[sflag:s29] =	ssyncset.done $0x0  }
0x6f: {  	[sflag:s29] =	ssyncadd.s32 $0xFFFFFF80  }
0x70: {  	[spmem:s3] =	stream.indirect.scatter.add.f32 [tilespmem:s26], [sflag:$0x4], $0x80, s22, s20, $0xb8;
	[tilespmem:$0x1D100] =	vst v63  }
0x71: {  	s8 =	simm.s32 $0x3E00  }
0x72: {  	[tilespmem:s21], [sflag:$0x1] =	stream.indirect.gather [hbm4b:s1+s20], $0x80, s8, s20, $0xb8;
	[tilespmem:$0x1D100] =	vst v63  }
0x73: {  	_ =	swait.ge [sflag:s30], $0x2800  }
0x74: {  	[sflag:s30] =	ssyncset.done $0x0  }
0x75: {  	[sflag:s30] =	ssyncadd.s32 $0xFFFFD800  }
0x76: {  	[tilespmem:s22], [sflag:$0x6] =	stream.linear.gather [hbm4b:s14+s4], $0x80, $0x38;
	[tilespmem:$0x1D100] =	vst v63  }
0x77: {  	_ =	swait.ge [sflag:s24], $0x2800  }
0x78: {  	[sflag:s24] =	ssyncset.done $0x0  }
0x79: {  	[sflag:s24] =	ssyncadd.s32 $0xFFFFD800  }
0x7a: {  	_ =	swait.ge [sflag:s25], $0x80  }
0x7b: {  	[sflag:s25] =	ssyncset.done $0x0  }
0x7c: {  	[sflag:s25] =	ssyncadd.s32 $0xFFFFFF80  }
0x7d: {  	[spmem:s3] =	stream.indirect.scatter.add.f32 [tilespmem:s21], [sflag:$0x8], $0x80, s18, s20, $0xb8;
	[tilespmem:$0x1D100] =	vst v63  }
0x7e: {  	_ =	swait.ge [sflag:s2], $0x2800  }
0x7f: {  	[sflag:s2] =	ssyncset.done $0x0  }
0x80: {  	[sflag:s2] =	ssyncadd.s32 $0xFFFFD800  }
0x81: {  	_ =	swait.ge [sflag:s29], $0x80  }
0x82: {  	[sflag:s29] =	ssyncset.done $0x0  }
0x83: {  	[sflag:s29] =	ssyncadd.s32 $0xFFFFFF80  }
0x84: {  	s31 =	sadd.s32 $0x1, s31;
	[bflag:$0x0] =	sbarrier.arrive $0xFFFF  }
0x85: {  	p0 =	sne.s32 s31, s13;
	s10 =	rddreg [dreg:$0x5]  }
.Ltmp1:
0x86: {  	s0 =	sor.u32 $0x1C08, s10;
	(pc) =	sbr.rel @p0 .LBB2_1-.Ltmp1, $4  }
0x87: {  	[hbm:s12], [sflag:s0] =	dma.local [spmem:s17], $0x2800  }
0x88: {  	_ =	swait.ge [sflag:s2], $0x2800  }
0x89: {  	[sflag:s2] =	ssyncset.done $0x0  }
0x8a: {  	[sflag:s2] =	ssyncadd.s32 $0xFFFFD800  }
0x8b: {  	_ =	sfence.sel $0x180000  }
0x8c: {  	[bflag:$0x0] =	sbarrier.arrive $0xFFFF  }
0x8d: {  	_ =	strace $0x9000004A  }
0x8e: {  	s0 =	stileid.u32;
	[bflag:$0x2] =	sbarrier.arrive $0xFFFF  }
0x8f: {  	p0 =	sne.s32 s0, $0x0;
	s0 =	rddreg [dreg:$0x3]  }
0x90: {  	s0 =	sadd.s32 @!p0 $0x100000, s0  }
0x91: {  	[sflag:s0] =	ssyncadd.tile.s32 @!p0 $0x1;
	_ =	shalt  }
.Lfunc_end2:
_tile_overlayer_lowered:
.L_overlay_start_2:
0x92: {  	(tag) =	ssettag $0x2  }
0x93: {  	s0 =	rddreg [dreg:$0x0];
	s2 =	stileid.u32  }
0x94: {  	s1 =	rddreg [dreg:$0x1];
	p0 =	sne.s32 s2, $0x0  }
0x95: {  	s3 =	rddreg [dreg:$0x2];
	[bflag:$0x3] =	sbarrier.arrive $0xFFFF;
	s2 =	simm.s32 @!p0 $0x1C08  }
0x96: {  	[timem:s3], [sflag:s2] =	dma.local @!p0 [hbm:s0], s1  }
0x97: {  	s0 =	simm.s32 @!p0 $0x8  }
0x98: {  	_ =	swait.ge @!p0 [sflag:s0], s1  }
0x99: {  	s1 =	ssub.s32 @!p0 $0x0, s1;
	[sflag:s0] =	ssyncset.done @!p0 $0x0  }
0x9a: {  	[sflag:s0] =	ssyncadd.s32 @!p0 s1  }
0x9b: {  	[bflag:$0x3] =	sbarrier.arrive $0xFFFF  }
0x9c: {  	_ =	shalt  }

// kernel: kernel.14.cloned.1.call-start
scs
__scs_entry_jumppad:
0x0: {  	(pc) =	sbr.rel $0x88, $3  }
0x1: {  	(tag) =	ssettag $0x0;
	lr =	simm.s32 $0x1  }
0x2: {  	[smem:$0x3F9B] =	sst lr;
	_ =	strace $0xD0000000  }
0x3: {  	_ = 	snop  }
0x4: {  	_ = 	snop  }
0x5: {  	_ = 	snop  }
0x6: {  	_ = 	snop  }
0x7: {  	_ = 	snop  }
__scs_overlays_trampoline_lowered:
0x8: {  	[smem:$0x3FAA] =	sst s0  }
0x9: {  	[smem:$0x3FAB] =	sst s1  }
0xa: {  	[smem:$0x3FAC] =	sst s2  }
0xb: {  	[smem:$0x3FAD] =	sst s3  }
0xc: {  	[smem:$0x3FAE] =	sst s4  }
0xd: {  	[smem:$0x3FAF] =	sst s5  }
0xe: {  	[smem:$0x3FB0] =	sst s6  }
0xf: {  	[smem:$0x3FB1] =	sst s7  }
0x10: {  	[smem:$0x3FB2] =	sst s8  }
0x11: {  	[smem:$0x3FB3] =	sst s9;
	s0 =	simm.s32 @!p0 $0x0  }
0x12: {  	s1 =	sld [smem:$0x3F99];
	s0 =	simm.s32 @p0 $0x1  }
0x13: {  	[smem:$0x3FB4] =	sst s0;
	s0 =	simm.s32 @!p1 $0x0  }
0x14: {  	s2 =	sld [smem:$0x3F98];
	s0 =	simm.s32 @p1 $0x1  }
0x15: {  	[smem:$0x3FB5] =	sst s0;
	s0 =	simm.s32 @!p2 $0x0  }
0x16: {  	s3 =	sld [smem:$0x3FDB];
	s0 =	simm.s32 @p2 $0x1  }
0x17: {  	s4 =	simm.s32 $0x1BF5;
	[smem:$0x3FB7] =	sst s0  }
0x18: {  	s0 =	sld [smem:$0x3F9A];
	_ =	swait.ge [sflag:s4], $0x0  }
0x19: {  	s7 =	sld [smem:$0x3F9B]  }
0x1a: {  	s8 =	sadd.s32 $0xFFFFE003, lr  }
0x1b: {  	s9 =	sadd.s32 $0xFFFFFEF7, lr;
	s5 =	simm.s32 $0xFFFFFFFF;
	p2 =	slt.u32 s8, $0xFFFFF086  }
0x1c: {  	p1 =	slt.u32 s9, $0xF7A;
	s5 =	simm.s32 @!p2 $0x0  }
0x1d: {  	s5 =	simm.s32 @p1 $0x1;
	p0 =	seq.s32 s7, s2  }
0x1e: {  	s7 =	smul.u32 @!p0 $0xF7A, s2;
	p2 =	seq.s32 @!p0 s5, $0x0  }
0x1f: {  	s9 =	smul.u32 $0xF7A, s1;
	s8 =	simm.s32 @!p0 $0x1BF5;
	p2 =	por !p2, p0  }
0x20: {  	[sflag:s8] =	ssyncset.s32 @!p0 $0xFFFFF086;
	s6 =	sadd.s32 @!p0 s3, s7;
	s7 =	simm.s32 @!p0 $0x108  }
0x21: {  	s3 =	sadd.s32 s3, s9;
	s6 =	sadd.s32 @!p0 $0x88, s6;
	s7 =	simm.s32 @p2 $0x1082  }
0x22: {  	[simem:s7], [sflag:s8] =	dma.local @!p0 [hbm:s6], $0xF7A  }
0x23: {  	s9 =	sor.u32 $0xD0000000, s2;
	s6 =	simm.s32 $0x108;
	_ =	swait.ge @!p0 [sflag:s8], $0x0  }
0x24: {  	s3 =	sadd.s32 $0x88, s3;
	s6 =	simm.s32 @!p1 $0x1082;
	[sflag:s4] =	ssyncset.s32 $0xFFFFF086  }
0x25: {  	[simem:s6], [sflag:s4] =	dma.local [hbm:s3], $0xF7A  }
0x26: {  	[smem:$0x3F9B] =	sst s1;
	(tag) =	ssettag s2;
	_ =	strace s9  }
0x27: {  	s1 =	sld [smem:$0x3FAB]  }
0x28: {  	s2 =	sld [smem:$0x3FAC]  }
0x29: {  	s4 =	sld [smem:$0x3FAE]  }
0x2a: {  	p0 =	seq.s32 s5, $0x0;
	s5 =	sld [smem:$0x3FAF]  }
0x2b: {  	s6 =	sld [smem:$0x3FB0]  }
0x2c: {  	s7 =	sld [smem:$0x3FB1]  }
0x2d: {  	s3 =	simm.s32 $0x108;
	s8 =	sld [smem:$0x3FB2]  }
0x2e: {  	s3 =	simm.s32 @!p0 $0x1082;
	s9 =	sld [smem:$0x3FB3]  }
0x2f: {  	lr =	sadd.s32 s0, s3;
	s0 =	sld [smem:$0x3FAA]  }
0x30: {  	s3 =	sld [smem:$0x3FAD]  }
0x31: {  	[smem:$0x3FB6] =	sst s10  }
0x32: {  	s10 =	sld [smem:$0x3FB4];
	_ =	sdelay $0x3  }
0x33: {  	p0 =	seq.s32 s10, $0x1;
	s10 =	sld [smem:$0x3FB6];
	_ =	sdelay $0x3  }
0x34: {  	[smem:$0x3FB6] =	sst s10  }
0x35: {  	s10 =	sld [smem:$0x3FB5];
	_ =	sdelay $0x3  }
0x36: {  	p1 =	seq.s32 s10, $0x1;
	s10 =	sld [smem:$0x3FB6];
	_ =	sdelay $0x3  }
0x37: {  	[smem:$0x3FB6] =	sst s10  }
0x38: {  	s10 =	sld [smem:$0x3FB7]  }
0x39: {  	_ = 	snop;
	(pc) =	sbr.ind lr, $3  }
0x3a: {  	_ = 	snop  }
0x3b: {  	_ = 	snop  }
0x3c: {  	p2 =	seq.s32 s10, $0x1;
	s10 =	sld [smem:$0x3FB6]  }
0x3d: {  	_ =	shalt  }
0x3e: {  	_ =	shalt  }
0x3f: {  	_ =	shalt  }
0x40: {  	_ =	shalt  }
0x41: {  	_ =	shalt  }
0x42: {  	_ =	shalt  }
0x43: {  	_ =	shalt  }
0x44: {  	_ =	shalt  }
0x45: {  	_ =	shalt  }
0x46: {  	_ =	shalt  }
0x47: {  	_ =	shalt  }
0x48: {  	_ =	shalt  }
0x49: {  	_ =	shalt  }
0x4a: {  	_ =	shalt  }
0x4b: {  	_ =	shalt  }
0x4c: {  	_ =	shalt  }
0x4d: {  	_ =	shalt  }
0x4e: {  	_ =	shalt  }
0x4f: {  	_ =	shalt  }
0x50: {  	_ =	shalt  }
0x51: {  	_ =	shalt  }
0x52: {  	_ =	shalt  }
0x53: {  	_ =	shalt  }
0x54: {  	_ =	shalt  }
0x55: {  	_ =	shalt  }
0x56: {  	_ =	shalt  }
0x57: {  	_ =	shalt  }
0x58: {  	_ =	shalt  }
0x59: {  	_ =	shalt  }
0x5a: {  	_ =	shalt  }
0x5b: {  	_ =	shalt  }
0x5c: {  	_ =	shalt  }
0x5d: {  	_ =	shalt  }
0x5e: {  	_ =	shalt  }
0x5f: {  	_ =	shalt  }
0x60: {  	_ =	shalt  }
0x61: {  	_ =	shalt  }
0x62: {  	_ =	shalt  }
0x63: {  	_ =	shalt  }
0x64: {  	_ =	shalt  }
0x65: {  	_ =	shalt  }
0x66: {  	_ =	shalt  }
0x67: {  	_ =	shalt  }
0x68: {  	_ =	shalt  }
0x69: {  	_ =	shalt  }
0x6a: {  	_ =	shalt  }
0x6b: {  	_ =	shalt  }
0x6c: {  	_ =	shalt  }
0x6d: {  	_ =	shalt  }
0x6e: {  	_ =	shalt  }
0x6f: {  	_ =	shalt  }
0x70: {  	_ =	shalt  }
0x71: {  	_ =	shalt  }
0x72: {  	_ =	shalt  }
0x73: {  	_ =	shalt  }
0x74: {  	_ =	shalt  }
0x75: {  	_ =	shalt  }
0x76: {  	_ =	shalt  }
0x77: {  	_ =	shalt  }
0x78: {  	_ =	shalt  }
0x79: {  	_ =	shalt  }
0x7a: {  	_ =	shalt  }
0x7b: {  	_ =	shalt  }
0x7c: {  	_ =	shalt  }
0x7d: {  	_ =	shalt  }
0x7e: {  	_ =	shalt  }
0x7f: {  	_ =	shalt  }
0x80: {  	_ =	shalt  }
0x81: {  	_ =	shalt  }
0x82: {  	_ =	shalt  }
0x83: {  	_ =	shalt  }
0x84: {  	_ =	shalt  }
0x85: {  	_ =	shalt  }
0x86: {  	_ =	shalt  }
0x87: {  	_ =	shalt  }
.Lfunc_end0:
.L_simem_size_0:
called_computation.2_lowered:
.L_overlay_start_0:
0x88: {  	s2 =	sld [smem:$0x3FD9]  }
0x89: {  	s3 =	sld [smem:$0x3FFE];
	_ =	sdelay $0x1  }
0x8a: {  	s1 =	srdreg.scid  }
0x8b: {  	s0 =	sand.u32 $0x1, s1  }
0x8c: {  	s17 =	sshll.u32 s0, $0xA;
	s2 =	sadd.s32 s3, s2  }
0x8d: {  	s2 =	sadd.s32 s2, s17  }
0x8e: {  	[smem:$0x3FC2] =	sst s2  }
0x8f: {  	_ = 	snop  }
0x90: {  	s2 =	sld [smem:$0x3FD0];
	(tm) =	ssettm $0x1  }
0x91: {  	s18 =	sld [smem:$0x3FFB];
	_ =	sdelay $0x3  }
0x92: {  	_ =	strace s18  }
0x93: {  	s3 =	sld [smem:$0x3FFC];
	_ =	sdelay $0x3  }
0x94: {  	_ =	strace s3  }
0x95: {  	s3 =	sld [smem:$0x3FFD];
	_ =	sdelay $0x3  }
0x96: {  	_ =	strace s3  }
0x97: {  	_ =	strace $0x8FFFFFFF  }
0x98: {  	s19 =	sld [smem:$0x3FDB];
	_ =	sdelay $0x1  }
0x99: {  	s4 =	simm.s32 $_scs_section_size  }
0x9a: {  	s5 =	simm.s32 $_size__tile_overlayer_lowered;
	s6 =	simm.s32 $_tile_overlayer_lowered  }
0x9b: {  	s22 =	simm.s32 $0x1BFF;
	s21 =	sshll.u32 s6, $0x1;
	s3 =	sadd.s32 s4, s19  }
0x9c: {  	s7 =	simm.s32 $0x0;
	s20 =	sshll.u32 s5, $0x1;
	s5 =	sadd.s32 s21, s3  }
0x9d: {  	[timem:s7], [sflag:s22] =	dma.local [hbm:s5], s20  }
0x9e: {  	_ =	swait.ge [sflag:s22], s20  }
0x9f: {  	s4 =	ssub.s32 $0x0, s20;
	[sflag:s22] =	ssyncset.done $0x0  }
0xa0: {  	[sflag:s22] =	ssyncadd.s32 s4;
	_ =	sdelay $0x1  }
0xa1: {  	s23 =	simm.s32 $0x1B8B  }
0xa2: {  	_ =	swait.ge [sflag:s23], $0x1  }
0xa3: {  	[sflag:s23] =	ssyncset.done $0x0  }
0xa4: {  	s25 =	simm.s32 $0x1B8E;
	s24 =	sld [smem:$0x3FFE];
	[sflag:s23] =	ssyncadd.s32 $0xFFFFFFFF  }
0xa5: {  	s26 =	simm.s32 $execute0_lowered;
	[smem:$0x3FD2] =	sst s25  }
0xa6: {  	s5 =	sshll.u32 s26, $0x1;
	_ =	strace $0x8000004C;
	[dreg:$0x1] =	wrdreg $0xFFFFFFFF  }
0xa7: {  	s28 =	simm.s32 $_size_execute0_lowered;
	s3 =	sadd.s32 s3, s5;
	[dreg:$0x0] =	wrdreg $0x0  }
0xa8: {  	s5 =	sshll.u32 s28, $0x1;
	[dreg:$0x2] =	wrdreg s3  }
0xa9: {  	[dreg:$0x3] =	wrdreg s5  }
0xaa: {  	[dreg:$0x4] =	wrdreg $0xC0  }
0xab: {  	_ =	task [dreg:s7], $0x5FFFF  }
0xac: {  	[dreg:$0x1] =	wrdreg $0xFFFFFFFF  }
0xad: {  	[dreg:$0x0] =	wrdreg $0x60  }
0xae: {  	[dreg:$0x2] =	wrdreg s2  }
0xaf: {  	[dreg:$0x3] =	wrdreg s24  }
0xb0: {  	[dreg:$0x4] =	wrdreg $0x91000  }
0xb1: {  	[dreg:$0x5] =	wrdreg $0x9  }
0xb2: {  	_ =	task.clear_ibuf [dreg:s7], $0x6FFFF;
	_ =	strace $0x9000004C  }
0xb3: {  	s29 =	simm.s32 $0x9;
	_ =	strace $0x8000004E  }
0xb4: {  	_ =	swait.ge [sflag:s29], $0x1  }
0xb5: {  	[sflag:s29] =	ssyncadd.s32 $0xFFFFFFFF  }
0xb6: {  	_ =	strace $0x9000004E  }
0xb7: {  	_ =	sfence  }
0xb8: {  	s30 =	sld [smem:$0x0];
	_ =	sdelay $0x2  }
0xb9: {  	s31 =	sshll.u32 s1, $0xD;
	s1 =	sshrl.u32 s1, $0x2  }
0xba: {  	s3 =	sand.u32 $0x4000, s31;
	s1 =	sadd.s32 s1, s30  }
0xbb: {  	s0 =	sor.u32 s3, s0;
	s1 =	sshll.u32 s1, $0x11  }
0xbc: {  	s0 =	sor.u32 s1, s0  }
0xbd: {  	s0 =	sadd.s32 $0x8F2B, s0  }
0xbe: {  	[sflag:s0] =	ssyncadd.remote.s32 $0x1  }
0xbf: {  	_ =	sfence.sel $0xFFFF  }
0xc0: {  	[dreg:$0x0] =	wrdreg $0xFFFFFFFF;
	(pc) =	sbr.abs _section_cstart, $3  }
0xc1: {  	[dreg:$0x1] =	wrdreg $0xFFFFFFFF  }
0xc2: {  	_ =	task.clear_ibuf [dreg:s7], $0x2FFFF;
	_ =	strace $0x9FFFFFFF  }
0xc3: {  	(tm) =	ssettm $0x7FFFFFFF  }
tec
execute0_lowered:
.L_overlay_start_1:
0x0: {  	(tag) =	ssettag $0x1  }
0x1: {  	s1 =	rddreg [dreg:$0x0]  }
0x2: {  	s0 =	rddreg [dreg:$0x1];
	s2 =	srdreg.scid  }
0x3: {  	s3 =	rddreg [dreg:$0x2];
	s11 =	stileid.u32  }
0x4: {  	s4 =	simm.s32 $0x0;
	s18 =	simm.s32 $0x4000;
	s19 =	simm.s32 $0x2  }
0x5: {  	s20 =	simm.s32 $0x50;
	s28 =	simm.s32 $0x3;
	s29 =	simm.s32 $0x6  }
0x6: {  	s30 =	simm.s32 $0x4;
	s31 =	simm.s32 $0x0;
	s8 =	smul.u32 $0x14000, s11  }
0x7: {  	s2 =	sand.u32 $0x1, s2;
	[smem:$0x7FF] =	sst s4;
	s22 =	smul.u32 $0x50000, s11  }
0x8: {  	s9 =	sadd.s32 $0x2A00, s0;
	s24 =	sshll.u32 s11, $0x6;
	s12 =	smul.u32 $0x3E80, s11  }
0x9: {  	s5 =	sshll.u32 s2, $0x4;
	s7 =	smul.u32 $0x140000, s2;
	_ =	strace $0x8000004D  }
0xa: {  	[dreg:$0x4] =	wrdreg s9;
	s21 =	ssub.s32 $0x2, s2;
	s2 =	smul.u32 $0x3E800, s2  }
0xb: {  	[dreg:$0x5] =	wrdreg s24;
	s6 =	sor.u32 s11, s5;
	s23 =	sshrl.u32 s21, $0x1  }
0xc: {  	s9 =	sshrl.u32 s22, $0x2;
	s22 =	simm.s32 $0x4080;
	s5 =	sshll.u32 s6, $0xB  }
0xd: {  	s7 =	sadd.s32 s8, s7;
	s6 =	smul.u32 $0x3E80, s6;
	s8 =	ssub.s32 s21, s23  }
0xe: {  	s17 =	sadd.s32 s9, s3;
	s2 =	sadd.s32 s12, s2;
	s21 =	simm.s32 $0x4100  }
0xf: {  	s23 =	simm.s32 $0x7;
	s10 =	sadd.s32 s5, s0;
	s5 =	sadd.s32 $0x55200, s0  }
0x10: {  	s7 =	sshrl.u32 s7, $0x3;
	s13 =	smax.u32 s8, $0x1;
	s26 =	sadd.s32 $0x180, s2  }
0x11: {  	s15 =	sadd.s32 $0x100, s2;
	s17 =	sshrl.u32 s17, $0x3;
	s2 =	simm.s32 $0x8  }
0x12: {  	s0 =	sadd.s32 s7, s0;
	s6 =	sshrl.u32 s6, $0x3;
	s7 =	sor.u32 $0x1C07, s24  }
0x13: {  	s25 =	sadd.s32 $0x64C00, s10;
	s24 =	simm.s32 $0x1;
	[dreg:$0x6] =	wrdreg s7  }
0x14: {  	s9 =	sadd.s32 s5, s6;
	[dreg:$0x7] =	wrdreg s25;
	s12 =	sadd.s32 $0x5200, s0  }
0x15: {  	s0 =	sshrl.u32 s26, $0x3;
	s25 =	simm.s32 $0x5;
	s26 =	simm.s32 $0x6900  }
0x16: {  	s11 =	sadd.s32 $0x10, s9;
	s14 =	sadd.s32 $0x7C0, s9;
	s16 =	sadd.s32 s0, s5  }
.LBB2_1:
0x17: {  	s0 =	rddreg [dreg:$0x4]  }
0x18: {  	s6 =	rddreg [dreg:$0x6]  }
0x19: {  	[spmem:s17], [sflag:s6] =	dma.local [hbm:s0], $0x2800  }
0x1a: {  	s0 =	rddreg [dreg:$0x7]  }
0x1b: {  	[tilespmem:s4], [sflag:$0x2] =	stream.linear.gather [hbm4b:s0+s4], $0x3E80, $0x38;
	[tilespmem:$0x1D100] =	vst v63  }
0x1c: {  	_ = 	snop  }
0x1d: {  	[tilespmem:s18], [sflag:$0x5] =	stream.linear.gather [hbm4b:s9+s4], $0x80, $0x38;
	[tilespmem:$0x1D100] =	vst v63  }
0x1e: {  	_ =	swait.ge [sflag:s19], $0x3E80  }
0x1f: {  	[sflag:s19] =	ssyncset.done $0x0  }
0x20: {  	[sflag:s19] =	ssyncadd.s32 $0xFFFFC180  }
0x21: {  	[tilespmem:s21], [sflag:$0x1] =	stream.indirect.gather [hbm4b:s1+s20], $0x80, s4, s20, $0xb8;
	[tilespmem:$0x1D100] =	vst v63  }
0x22: {  	_ = 	snop  }
0x23: {  	[tilespmem:s22], [sflag:$0x6] =	stream.linear.gather [hbm4b:s11+s4], $0x80, $0x38;
	[tilespmem:$0x1D100] =	vst v63  }
0x24: {  	_ =	swait.ge [sflag:s23], $0x2800  }
0x25: {  	[sflag:s23] =	ssyncset.done $0x0  }
0x26: {  	[sflag:s23] =	ssyncadd.s32 $0xFFFFD800  }
0x27: {  	[bflag:$0x0] =	sbarrier.arrive $0xFFFF  }
0x28: {  	_ =	swait.ge [sflag:s24], $0x2800  }
0x29: {  	[sflag:s24] =	ssyncset.done $0x0  }
0x2a: {  	[sflag:s24] =	ssyncadd.s32 $0xFFFFD800  }
0x2b: {  	_ =	swait.ge [sflag:s25], $0x80  }
0x2c: {  	[sflag:s25] =	ssyncset.done $0x0  }
0x2d: {  	[sflag:s25] =	ssyncadd.s32 $0xFFFFFF80  }
0x2e: {  	[spmem:s3] =	stream.indirect.scatter.add.f32 [tilespmem:s21], [sflag:$0x3], $0x80, s18, s20, $0xb8;
	[tilespmem:$0x1D100] =	vst v63  }
0x2f: {  	s7 =	simm.s32 $0x80  }
0x30: {  	[tilespmem:s26], [sflag:$0x2] =	stream.indirect.gather [hbm4b:s1+s20], $0x80, s7, s20, $0xb8;
	[tilespmem:$0x1D100] =	vst v63  }
0x31: {  	_ =	swait.ge [sflag:s28], $0x2800  }
0x32: {  	s8 =	sshrl.u32 s15, $0x3;
	[sflag:s28] =	ssyncset.done $0x0  }
0x33: {  	s0 =	sadd.s32 s5, s8;
	[sflag:s28] =	ssyncadd.s32 $0xFFFFD800  }
0x34: {  	[tilespmem:s18], [sflag:$0x5] =	stream.linear.gather [hbm4b:s0+s4], $0x80, $0x38;
	[tilespmem:$0x1D100] =	vst v63  }
0x35: {  	_ =	swait.ge [sflag:s19], $0x2800  }
0x36: {  	[sflag:s19] =	ssyncset.done $0x0  }
0x37: {  	[sflag:s19] =	ssyncadd.s32 $0xFFFFD800  }
0x38: {  	_ =	swait.ge [sflag:s29], $0x80  }
0x39: {  	[sflag:s29] =	ssyncset.done $0x0  }
0x3a: {  	[sflag:s29] =	ssyncadd.s32 $0xFFFFFF80  }
0x3b: {  	[spmem:s3] =	stream.indirect.scatter.add.f32 [tilespmem:s26], [sflag:$0x4], $0x80, s22, s20, $0xb8;
	[tilespmem:$0x1D100] =	vst v63  }
0x3c: {  	s10 =	simm.s32 $0x100  }
0x3d: {  	[tilespmem:s21], [sflag:$0x1] =	stream.indirect.gather [hbm4b:s1+s20], $0x80, s10, s20, $0xb8;
	[tilespmem:$0x1D100] =	vst v63  }
0x3e: {  	_ =	swait.ge [sflag:s30], $0x2800  }
0x3f: {  	s6 =	sadd.s32 $0x100, s15;
	s8 =	simm.s32 $0x200;
	[sflag:s30] =	ssyncset.done $0x0  }
0x40: {  	s0 =	simm.s32 $0x20;
	s10 =	sadd.s32 $0x0, s16;
	[sflag:s30] =	ssyncadd.s32 $0xFFFFD800  }
.LBB2_2:
0x41: {  	[tilespmem:s22], [sflag:$0x6] =	stream.linear.gather [hbm4b:s10+s4], $0x80, $0x38;
	[tilespmem:$0x1D100] =	vst v63  }
0x42: {  	s10 =	smov.u32 s0  }
0x43: {  	p0 =	sne.s32 s0, $0x780;
	s0 =	sadd.s32 $0x20, s0;
	_ =	swait.ge [sflag:s24], $0x2800  }
0x44: {  	[sflag:s24] =	ssyncset.done $0x0  }
0x45: {  	[sflag:s24] =	ssyncadd.s32 $0xFFFFD800  }
0x46: {  	_ =	swait.ge [sflag:s25], $0x80  }
0x47: {  	[sflag:s25] =	ssyncset.done $0x0  }
0x48: {  	[sflag:s25] =	ssyncadd.s32 $0xFFFFFF80  }
0x49: {  	[spmem:s3] =	stream.indirect.scatter.add.f32 [tilespmem:s21], [sflag:$0x3], $0x80, s18, s20, $0xb8;
	[tilespmem:$0x1D100] =	vst v63  }
0x4a: {  	s7 =	sadd.s32 $0xFFFFFF80, s8  }
0x4b: {  	[tilespmem:s26], [sflag:$0x2] =	stream.indirect.gather [hbm4b:s1+s20], $0x80, s7, s20, $0xb8;
	[tilespmem:$0x1D100] =	vst v63  }
0x4c: {  	_ =	swait.ge [sflag:s28], $0x2800  }
0x4d: {  	s7 =	sshrl.u32 s6, $0x3;
	[sflag:s28] =	ssyncset.done $0x0  }
0x4e: {  	s7 =	sadd.s32 s5, s7;
	[sflag:s28] =	ssyncadd.s32 $0xFFFFD800  }
0x4f: {  	[tilespmem:s18], [sflag:$0x5] =	stream.linear.gather [hbm4b:s7+s4], $0x80, $0x38;
	[tilespmem:$0x1D100] =	vst v63  }
0x50: {  	_ =	swait.ge [sflag:s19], $0x2800  }
0x51: {  	[sflag:s19] =	ssyncset.done $0x0  }
0x52: {  	[sflag:s19] =	ssyncadd.s32 $0xFFFFD800  }
0x53: {  	_ =	swait.ge [sflag:s29], $0x80  }
0x54: {  	[sflag:s29] =	ssyncset.done $0x0  }
0x55: {  	[sflag:s29] =	ssyncadd.s32 $0xFFFFFF80  }
0x56: {  	[spmem:s3] =	stream.indirect.scatter.add.f32 [tilespmem:s26], [sflag:$0x4], $0x80, s22, s20, $0xb8;
	[tilespmem:$0x1D100] =	vst v63  }
.Ltmp0:
0x57: {  	(pc) =	sbr.rel @p0 .LBB2_2-.Ltmp0, $4  }
0x58: {  	[tilespmem:s21], [sflag:$0x1] =	stream.indirect.gather [hbm4b:s1+s20], $0x80, s8, s20, $0xb8;
	[tilespmem:$0x1D100] =	vst v63  }
0x59: {  	_ =	swait.ge [sflag:s30], $0x2800  }
0x5a: {  	s6 =	sadd.s32 $0x100, s6;
	[sflag:s30] =	ssyncset.done $0x0  }
0x5b: {  	s10 =	sadd.s32 s10, s16;
	s8 =	sadd.s32 $0x100, s8;
	[sflag:s30] =	ssyncadd.s32 $0xFFFFD800  }
0x5c: {  	[tilespmem:s22], [sflag:$0x6] =	stream.linear.gather [hbm4b:s10+s4], $0x80, $0x38;
	[tilespmem:$0x1D100] =	vst v63  }
0x5d: {  	_ =	swait.ge [sflag:s24], $0x2800  }
0x5e: {  	[sflag:s24] =	ssyncset.done $0x0  }
0x5f: {  	[sflag:s24] =	ssyncadd.s32 $0xFFFFD800  }
0x60: {  	_ =	swait.ge [sflag:s25], $0x80  }
0x61: {  	[sflag:s25] =	ssyncset.done $0x0  }
0x62: {  	[sflag:s25] =	ssyncadd.s32 $0xFFFFFF80  }
0x63: {  	[spmem:s3] =	stream.indirect.scatter.add.f32 [tilespmem:s21], [sflag:$0x3], $0x80, s18, s20, $0xb8;
	[tilespmem:$0x1D100] =	vst v63  }
0x64: {  	s0 =	simm.s32 $0x3D80  }
0x65: {  	[tilespmem:s26], [sflag:$0x2] =	stream.indirect.gather [hbm4b:s1+s20], $0x80, s0, s20, $0xb8;
	[tilespmem:$0x1D100] =	vst v63  }
0x66: {  	_ =	swait.ge [sflag:s28], $0x2800  }
0x67: {  	[sflag:s28] =	ssyncset.done $0x0  }
0x68: {  	[sflag:s28] =	ssyncadd.s32 $0xFFFFD800  }
0x69: {  	[tilespmem:s18], [sflag:$0x5] =	stream.linear.gather [hbm4b:s14+s4], $0x80, $0x38;
	[tilespmem:$0x1D100] =	vst v63  }
0x6a: {  	_ =	swait.ge [sflag:s19], $0x2800  }
0x6b: {  	[sflag:s19] =	ssyncset.done $0x0  }
0x6c: {  	[sflag:s19] =	ssyncadd.s32 $0xFFFFD800  }
0x6d: {  	_ =	swait.ge [sflag:s29], $0x80  }
0x6e: {  	[sflag:s29] =	ssyncset.done $0x0  }
0x6f: {  	[sflag:s29] =	ssyncadd.s32 $0xFFFFFF80  }
0x70: {  	[spmem:s3] =	stream.indirect.scatter.add.f32 [tilespmem:s26], [sflag:$0x4], $0x80, s22, s20, $0xb8;
	[tilespmem:$0x1D100] =	vst v63  }
0x71: {  	s8 =	simm.s32 $0x3E00  }
0x72: {  	[tilespmem:s21], [sflag:$0x1] =	stream.indirect.gather [hbm4b:s1+s20], $0x80, s8, s20, $0xb8;
	[tilespmem:$0x1D100] =	vst v63  }
0x73: {  	_ =	swait.ge [sflag:s30], $0x2800  }
0x74: {  	[sflag:s30] =	ssyncset.done $0x0  }
0x75: {  	[sflag:s30] =	ssyncadd.s32 $0xFFFFD800  }
0x76: {  	[tilespmem:s22], [sflag:$0x6] =	stream.linear.gather [hbm4b:s14+s4], $0x80, $0x38;
	[tilespmem:$0x1D100] =	vst v63  }
0x77: {  	_ =	swait.ge [sflag:s24], $0x2800  }
0x78: {  	[sflag:s24] =	ssyncset.done $0x0  }
0x79: {  	[sflag:s24] =	ssyncadd.s32 $0xFFFFD800  }
0x7a: {  	_ =	swait.ge [sflag:s25], $0x80  }
0x7b: {  	[sflag:s25] =	ssyncset.done $0x0  }
0x7c: {  	[sflag:s25] =	ssyncadd.s32 $0xFFFFFF80  }
0x7d: {  	[spmem:s3] =	stream.indirect.scatter.add.f32 [tilespmem:s21], [sflag:$0x8], $0x80, s18, s20, $0xb8;
	[tilespmem:$0x1D100] =	vst v63  }
0x7e: {  	_ =	swait.ge [sflag:s2], $0x2800  }
0x7f: {  	[sflag:s2] =	ssyncset.done $0x0  }
0x80: {  	[sflag:s2] =	ssyncadd.s32 $0xFFFFD800  }
0x81: {  	_ =	swait.ge [sflag:s29], $0x80  }
0x82: {  	[sflag:s29] =	ssyncset.done $0x0  }
0x83: {  	[sflag:s29] =	ssyncadd.s32 $0xFFFFFF80  }
0x84: {  	s31 =	sadd.s32 $0x1, s31;
	[bflag:$0x0] =	sbarrier.arrive $0xFFFF  }
0x85: {  	p0 =	sne.s32 s31, s13;
	s10 =	rddreg [dreg:$0x5]  }
.Ltmp1:
0x86: {  	s0 =	sor.u32 $0x1C08, s10;
	(pc) =	sbr.rel @p0 .LBB2_1-.Ltmp1, $4  }
0x87: {  	[hbm:s12], [sflag:s0] =	dma.local [spmem:s17], $0x2800  }
0x88: {  	_ =	swait.ge [sflag:s2], $0x2800  }
0x89: {  	[sflag:s2] =	ssyncset.done $0x0  }
0x8a: {  	[sflag:s2] =	ssyncadd.s32 $0xFFFFD800  }
0x8b: {  	_ =	sfence.sel $0x180000  }
0x8c: {  	[bflag:$0x0] =	sbarrier.arrive $0xFFFF  }
0x8d: {  	_ =	strace $0x9000004D  }
0x8e: {  	s0 =	stileid.u32;
	[bflag:$0x2] =	sbarrier.arrive $0xFFFF  }
0x8f: {  	p0 =	sne.s32 s0, $0x0;
	s0 =	rddreg [dreg:$0x3]  }
0x90: {  	s0 =	sadd.s32 @!p0 $0x100000, s0  }
0x91: {  	[sflag:s0] =	ssyncadd.tile.s32 @!p0 $0x1;
	_ =	shalt  }
.Lfunc_end2:
_tile_overlayer_lowered:
.L_overlay_start_2:
0x92: {  	(tag) =	ssettag $0x2  }
0x93: {  	s0 =	rddreg [dreg:$0x0];
	s2 =	stileid.u32  }
0x94: {  	s1 =	rddreg [dreg:$0x1];
	p0 =	sne.s32 s2, $0x0  }
0x95: {  	s3 =	rddreg [dreg:$0x2];
	[bflag:$0x3] =	sbarrier.arrive $0xFFFF;
	s2 =	simm.s32 @!p0 $0x1C08  }
0x96: {  	[timem:s3], [sflag:s2] =	dma.local @!p0 [hbm:s0], s1  }
0x97: {  	s0 =	simm.s32 @!p0 $0x8  }
0x98: {  	_ =	swait.ge @!p0 [sflag:s0], s1  }
0x99: {  	s1 =	ssub.s32 @!p0 $0x0, s1;
	[sflag:s0] =	ssyncset.done @!p0 $0x0  }
0x9a: {  	[sflag:s0] =	ssyncadd.s32 @!p0 s1  }
0x9b: {  	[bflag:$0x3] =	sbarrier.arrive $0xFFFF  }
0x9c: {  	_ =	shalt  }

// kernel: kernel.8.cloned.1.call-start
scs
__scs_entry_jumppad:
0x0: {  	(pc) =	sbr.rel $0x88, $3  }
0x1: {  	(tag) =	ssettag $0x0;
	lr =	simm.s32 $0x1  }
0x2: {  	[smem:$0x3F9B] =	sst lr;
	_ =	strace $0xD0000000  }
0x3: {  	_ = 	snop  }
0x4: {  	_ = 	snop  }
0x5: {  	_ = 	snop  }
0x6: {  	_ = 	snop  }
0x7: {  	_ = 	snop  }
__scs_overlays_trampoline_lowered:
0x8: {  	[smem:$0x3FAA] =	sst s0  }
0x9: {  	[smem:$0x3FAB] =	sst s1  }
0xa: {  	[smem:$0x3FAC] =	sst s2  }
0xb: {  	[smem:$0x3FAD] =	sst s3  }
0xc: {  	[smem:$0x3FAE] =	sst s4  }
0xd: {  	[smem:$0x3FAF] =	sst s5  }
0xe: {  	[smem:$0x3FB0] =	sst s6  }
0xf: {  	[smem:$0x3FB1] =	sst s7  }
0x10: {  	[smem:$0x3FB2] =	sst s8  }
0x11: {  	[smem:$0x3FB3] =	sst s9;
	s0 =	simm.s32 @!p0 $0x0  }
0x12: {  	s1 =	sld [smem:$0x3F99];
	s0 =	simm.s32 @p0 $0x1  }
0x13: {  	[smem:$0x3FB4] =	sst s0;
	s0 =	simm.s32 @!p1 $0x0  }
0x14: {  	s2 =	sld [smem:$0x3F98];
	s0 =	simm.s32 @p1 $0x1  }
0x15: {  	[smem:$0x3FB5] =	sst s0;
	s0 =	simm.s32 @!p2 $0x0  }
0x16: {  	s3 =	sld [smem:$0x3FDB];
	s0 =	simm.s32 @p2 $0x1  }
0x17: {  	s4 =	simm.s32 $0x1BF5;
	[smem:$0x3FB7] =	sst s0  }
0x18: {  	s0 =	sld [smem:$0x3F9A];
	_ =	swait.ge [sflag:s4], $0x0  }
0x19: {  	s7 =	sld [smem:$0x3F9B]  }
0x1a: {  	s8 =	sadd.s32 $0xFFFFE003, lr  }
0x1b: {  	s9 =	sadd.s32 $0xFFFFFEF7, lr;
	s5 =	simm.s32 $0xFFFFFFFF;
	p2 =	slt.u32 s8, $0xFFFFF086  }
0x1c: {  	p1 =	slt.u32 s9, $0xF7A;
	s5 =	simm.s32 @!p2 $0x0  }
0x1d: {  	s5 =	simm.s32 @p1 $0x1;
	p0 =	seq.s32 s7, s2  }
0x1e: {  	s7 =	smul.u32 @!p0 $0xF7A, s2;
	p2 =	seq.s32 @!p0 s5, $0x0  }
0x1f: {  	s9 =	smul.u32 $0xF7A, s1;
	s8 =	simm.s32 @!p0 $0x1BF5;
	p2 =	por !p2, p0  }
0x20: {  	[sflag:s8] =	ssyncset.s32 @!p0 $0xFFFFF086;
	s6 =	sadd.s32 @!p0 s3, s7;
	s7 =	simm.s32 @!p0 $0x108  }
0x21: {  	s3 =	sadd.s32 s3, s9;
	s6 =	sadd.s32 @!p0 $0x88, s6;
	s7 =	simm.s32 @p2 $0x1082  }
0x22: {  	[simem:s7], [sflag:s8] =	dma.local @!p0 [hbm:s6], $0xF7A  }
0x23: {  	s9 =	sor.u32 $0xD0000000, s2;
	s6 =	simm.s32 $0x108;
	_ =	swait.ge @!p0 [sflag:s8], $0x0  }
0x24: {  	s3 =	sadd.s32 $0x88, s3;
	s6 =	simm.s32 @!p1 $0x1082;
	[sflag:s4] =	ssyncset.s32 $0xFFFFF086  }
0x25: {  	[simem:s6], [sflag:s4] =	dma.local [hbm:s3], $0xF7A  }
0x26: {  	[smem:$0x3F9B] =	sst s1;
	(tag) =	ssettag s2;
	_ =	strace s9  }
0x27: {  	s1 =	sld [smem:$0x3FAB]  }
0x28: {  	s2 =	sld [smem:$0x3FAC]  }
0x29: {  	s4 =	sld [smem:$0x3FAE]  }
0x2a: {  	p0 =	seq.s32 s5, $0x0;
	s5 =	sld [smem:$0x3FAF]  }
0x2b: {  	s6 =	sld [smem:$0x3FB0]  }
0x2c: {  	s7 =	sld [smem:$0x3FB1]  }
0x2d: {  	s3 =	simm.s32 $0x108;
	s8 =	sld [smem:$0x3FB2]  }
0x2e: {  	s3 =	simm.s32 @!p0 $0x1082;
	s9 =	sld [smem:$0x3FB3]  }
0x2f: {  	lr =	sadd.s32 s0, s3;
	s0 =	sld [smem:$0x3FAA]  }
0x30: {  	s3 =	sld [smem:$0x3FAD]  }
0x31: {  	[smem:$0x3FB6] =	sst s10  }
0x32: {  	s10 =	sld [smem:$0x3FB4];
	_ =	sdelay $0x3  }
0x33: {  	p0 =	seq.s32 s10, $0x1;
	s10 =	sld [smem:$0x3FB6];
	_ =	sdelay $0x3  }
0x34: {  	[smem:$0x3FB6] =	sst s10  }
0x35: {  	s10 =	sld [smem:$0x3FB5];
	_ =	sdelay $0x3  }
0x36: {  	p1 =	seq.s32 s10, $0x1;
	s10 =	sld [smem:$0x3FB6];
	_ =	sdelay $0x3  }
0x37: {  	[smem:$0x3FB6] =	sst s10  }
0x38: {  	s10 =	sld [smem:$0x3FB7]  }
0x39: {  	_ = 	snop;
	(pc) =	sbr.ind lr, $3  }
0x3a: {  	_ = 	snop  }
0x3b: {  	_ = 	snop  }
0x3c: {  	p2 =	seq.s32 s10, $0x1;
	s10 =	sld [smem:$0x3FB6]  }
0x3d: {  	_ =	shalt  }
0x3e: {  	_ =	shalt  }
0x3f: {  	_ =	shalt  }
0x40: {  	_ =	shalt  }
0x41: {  	_ =	shalt  }
0x42: {  	_ =	shalt  }
0x43: {  	_ =	shalt  }
0x44: {  	_ =	shalt  }
0x45: {  	_ =	shalt  }
0x46: {  	_ =	shalt  }
0x47: {  	_ =	shalt  }
0x48: {  	_ =	shalt  }
0x49: {  	_ =	shalt  }
0x4a: {  	_ =	shalt  }
0x4b: {  	_ =	shalt  }
0x4c: {  	_ =	shalt  }
0x4d: {  	_ =	shalt  }
0x4e: {  	_ =	shalt  }
0x4f: {  	_ =	shalt  }
0x50: {  	_ =	shalt  }
0x51: {  	_ =	shalt  }
0x52: {  	_ =	shalt  }
0x53: {  	_ =	shalt  }
0x54: {  	_ =	shalt  }
0x55: {  	_ =	shalt  }
0x56: {  	_ =	shalt  }
0x57: {  	_ =	shalt  }
0x58: {  	_ =	shalt  }
0x59: {  	_ =	shalt  }
0x5a: {  	_ =	shalt  }
0x5b: {  	_ =	shalt  }
0x5c: {  	_ =	shalt  }
0x5d: {  	_ =	shalt  }
0x5e: {  	_ =	shalt  }
0x5f: {  	_ =	shalt  }
0x60: {  	_ =	shalt  }
0x61: {  	_ =	shalt  }
0x62: {  	_ =	shalt  }
0x63: {  	_ =	shalt  }
0x64: {  	_ =	shalt  }
0x65: {  	_ =	shalt  }
0x66: {  	_ =	shalt  }
0x67: {  	_ =	shalt  }
0x68: {  	_ =	shalt  }
0x69: {  	_ =	shalt  }
0x6a: {  	_ =	shalt  }
0x6b: {  	_ =	shalt  }
0x6c: {  	_ =	shalt  }
0x6d: {  	_ =	shalt  }
0x6e: {  	_ =	shalt  }
0x6f: {  	_ =	shalt  }
0x70: {  	_ =	shalt  }
0x71: {  	_ =	shalt  }
0x72: {  	_ =	shalt  }
0x73: {  	_ =	shalt  }
0x74: {  	_ =	shalt  }
0x75: {  	_ =	shalt  }
0x76: {  	_ =	shalt  }
0x77: {  	_ =	shalt  }
0x78: {  	_ =	shalt  }
0x79: {  	_ =	shalt  }
0x7a: {  	_ =	shalt  }
0x7b: {  	_ =	shalt  }
0x7c: {  	_ =	shalt  }
0x7d: {  	_ =	shalt  }
0x7e: {  	_ =	shalt  }
0x7f: {  	_ =	shalt  }
0x80: {  	_ =	shalt  }
0x81: {  	_ =	shalt  }
0x82: {  	_ =	shalt  }
0x83: {  	_ =	shalt  }
0x84: {  	_ =	shalt  }
0x85: {  	_ =	shalt  }
0x86: {  	_ =	shalt  }
0x87: {  	_ =	shalt  }
.Lfunc_end0:
.L_simem_size_0:
called_computation_lowered:
.L_overlay_start_0:
0x88: {  	s2 =	sld [smem:$0x3FD9]  }
0x89: {  	s3 =	sld [smem:$0x3FFE];
	_ =	sdelay $0x1  }
0x8a: {  	s1 =	srdreg.scid  }
0x8b: {  	s0 =	sand.u32 $0x1, s1  }
0x8c: {  	s17 =	sshll.u32 s0, $0xA;
	s2 =	sadd.s32 s3, s2  }
0x8d: {  	s2 =	sadd.s32 s2, s17  }
0x8e: {  	[smem:$0x3FC2] =	sst s2  }
0x8f: {  	_ = 	snop  }
0x90: {  	s2 =	sld [smem:$0x3FD0];
	(tm) =	ssettm $0x1  }
0x91: {  	s18 =	sld [smem:$0x3FFB];
	_ =	sdelay $0x3  }
0x92: {  	_ =	strace s18  }
0x93: {  	s3 =	sld [smem:$0x3FFC];
	_ =	sdelay $0x3  }
0x94: {  	_ =	strace s3  }
0x95: {  	s3 =	sld [smem:$0x3FFD];
	_ =	sdelay $0x3  }
0x96: {  	_ =	strace s3  }
0x97: {  	_ =	strace $0x8FFFFFFF  }
0x98: {  	s19 =	sld [smem:$0x3FDB];
	_ =	sdelay $0x1  }
0x99: {  	s4 =	simm.s32 $_scs_section_size  }
0x9a: {  	s5 =	simm.s32 $_size__tile_overlayer_lowered;
	s6 =	simm.s32 $_tile_overlayer_lowered  }
0x9b: {  	s22 =	simm.s32 $0x1BFF;
	s21 =	sshll.u32 s6, $0x1;
	s3 =	sadd.s32 s4, s19  }
0x9c: {  	s7 =	simm.s32 $0x0;
	s20 =	sshll.u32 s5, $0x1;
	s5 =	sadd.s32 s21, s3  }
0x9d: {  	[timem:s7], [sflag:s22] =	dma.local [hbm:s5], s20  }
0x9e: {  	_ =	swait.ge [sflag:s22], s20  }
0x9f: {  	s4 =	ssub.s32 $0x0, s20;
	[sflag:s22] =	ssyncset.done $0x0  }
0xa0: {  	[sflag:s22] =	ssyncadd.s32 s4;
	_ =	sdelay $0x1  }
0xa1: {  	s23 =	simm.s32 $0x1B8B  }
0xa2: {  	_ =	swait.ge [sflag:s23], $0x1  }
0xa3: {  	[sflag:s23] =	ssyncset.done $0x0  }
0xa4: {  	s25 =	simm.s32 $0x1B8E;
	s24 =	sld [smem:$0x3FFE];
	[sflag:s23] =	ssyncadd.s32 $0xFFFFFFFF  }
0xa5: {  	s26 =	simm.s32 $execute0_lowered;
	[smem:$0x3FD2] =	sst s25  }
0xa6: {  	s5 =	sshll.u32 s26, $0x1;
	_ =	strace $0x80000046;
	[dreg:$0x1] =	wrdreg $0xFFFFFFFF  }
0xa7: {  	s28 =	simm.s32 $_size_execute0_lowered;
	s3 =	sadd.s32 s3, s5;
	[dreg:$0x0] =	wrdreg $0x0  }
0xa8: {  	s5 =	sshll.u32 s28, $0x1;
	[dreg:$0x2] =	wrdreg s3  }
0xa9: {  	[dreg:$0x3] =	wrdreg s5  }
0xaa: {  	[dreg:$0x4] =	wrdreg $0xC0  }
0xab: {  	_ =	task [dreg:s7], $0x5FFFF  }
0xac: {  	[dreg:$0x1] =	wrdreg $0xFFFFFFFF  }
0xad: {  	[dreg:$0x0] =	wrdreg $0x60  }
0xae: {  	[dreg:$0x2] =	wrdreg s2  }
0xaf: {  	[dreg:$0x3] =	wrdreg s24  }
0xb0: {  	[dreg:$0x4] =	wrdreg $0x68000  }
0xb1: {  	[dreg:$0x5] =	wrdreg $0x9  }
0xb2: {  	_ =	task.clear_ibuf [dreg:s7], $0x6FFFF;
	_ =	strace $0x90000046  }
0xb3: {  	s29 =	simm.s32 $0x9;
	_ =	strace $0x80000048  }
0xb4: {  	_ =	swait.ge [sflag:s29], $0x1  }
0xb5: {  	[sflag:s29] =	ssyncadd.s32 $0xFFFFFFFF  }
0xb6: {  	_ =	strace $0x90000048  }
0xb7: {  	_ =	sfence  }
0xb8: {  	s30 =	sld [smem:$0x0];
	_ =	sdelay $0x2  }
0xb9: {  	s31 =	sshll.u32 s1, $0xD;
	s1 =	sshrl.u32 s1, $0x2  }
0xba: {  	s3 =	sand.u32 $0x4000, s31;
	s1 =	sadd.s32 s1, s30  }
0xbb: {  	s0 =	sor.u32 s3, s0;
	s1 =	sshll.u32 s1, $0x11  }
0xbc: {  	s0 =	sor.u32 s1, s0  }
0xbd: {  	s0 =	sadd.s32 $0x8F2B, s0  }
0xbe: {  	[sflag:s0] =	ssyncadd.remote.s32 $0x1  }
0xbf: {  	_ =	sfence.sel $0xFFFF  }
0xc0: {  	[dreg:$0x0] =	wrdreg $0xFFFFFFFF;
	(pc) =	sbr.abs _section_cstart, $3  }
0xc1: {  	[dreg:$0x1] =	wrdreg $0xFFFFFFFF  }
0xc2: {  	_ =	task.clear_ibuf [dreg:s7], $0x2FFFF;
	_ =	strace $0x9FFFFFFF  }
0xc3: {  	(tm) =	ssettm $0x7FFFFFFF  }
tec
execute0_lowered:
.L_overlay_start_1:
0x0: {  	(tag) =	ssettag $0x1  }
0x1: {  	s6 =	rddreg [dreg:$0x0]  }
0x2: {  	s7 =	rddreg [dreg:$0x1]  }
0x3: {  	s1 =	rddreg [dreg:$0x2]  }
0x4: {  	s2 =	srdreg.scid;
	s0 =	rddreg [dreg:$0x3];
	s3 =	simm.s32 $0x0  }
0x5: {  	s13 =	simm.s32 $0x50;
	s8 =	sand.u32 $0x1, s2;
	s2 =	stileid.u32  }
0x6: {  	s14 =	simm.s32 $0x0;
	[smem:$0x7FF] =	sst s3;
	s5 =	smul.u32 $0x140000, s8  }
0x7: {  	s4 =	sadd.s32 $0x2400, s7;
	s9 =	smul.u32 $0x14000, s2;
	_ =	strace $0x80000047  }
0x8: {  	s10 =	smul.u32 $0x50000, s2;
	s11 =	ssub.s32 $0x2, s8;
	s31 =	sshll.u32 s2, $0xB  }
0x9: {  	s12 =	sshll.u32 s2, $0x6;
	s8 =	sshll.u32 s8, $0xF;
	s30 =	sshrl.u32 s11, $0x1  }
0xa: {  	s9 =	sadd.s32 s9, s5;
	s5 =	sadd.s32 $0x2A00, s7;
	s10 =	sshrl.u32 s10, $0x2  }
0xb: {  	s11 =	ssub.s32 s11, s30;
	s9 =	sshrl.u32 s9, $0x3;
	s10 =	sadd.s32 s10, s1  }
0xc: {  	s9 =	sadd.s32 s9, s7;
	s7 =	sadd.s32 s6, s31;
	s6 =	sor.u32 $0x1C01, s12  }
0xd: {  	s10 =	sshrl.u32 s10, $0x3;
	s12 =	simm.s32 $0x4000;
	s7 =	sadd.s32 s8, s7  }
0xe: {  	s8 =	sadd.s32 $0x5200, s9;
	s9 =	smax.u32 s11, $0x1;
	s11 =	simm.s32 $0x1  }
.LBB2_1:
0xf: {  	[spmem:s10], [sflag:s6] =	dma.local [hbm:s5], $0x2800  }
0x10: {  	_ =	swait.ge [sflag:s11], $0x2800  }
0x11: {  	[sflag:s11] =	ssyncset.done $0x0  }
0x12: {  	[sflag:s11] =	ssyncadd.s32 $0xFFFFD800  }
0x13: {  	[tilespmem:s3], [sflag:$0x1] =	stream.linear.gather [hbm4b:s7+s3], $0x3E80, $0x38;
	[tilespmem:$0x1A800] =	vst v63  }
0x14: {  	_ =	swait.ge [sflag:s11], $0x3E80  }
0x15: {  	[sflag:s11] =	ssyncset.done $0x0  }
0x16: {  	[sflag:s11] =	ssyncadd.s32 $0xFFFFC180  }
0x17: {  	[tilespmem:s12], [sflag:$0x1] =	stream.linear.gather [hbm4b:s4+s3], $0x2800, $0x38;
	[tilespmem:$0x1A800] =	vst v63  }
0x18: {  	_ =	swait.ge [sflag:s11], $0x2800  }
0x19: {  	[sflag:s11] =	ssyncset.done $0x0  }
0x1a: {  	[sflag:s11] =	ssyncadd.s32 $0xFFFFD800  }
0x1b: {  	s15 =	simm.s32 $0x0;
	[bflag:$0x0] =	sbarrier.arrive $0xFFFF  }
0x1c: {  	[spmem:s1] =	stream.indirect.scatter.add.f32 [tilespmem:s12], [sflag:$0x1], $0x80, s15, s13, $0xb8;
	[tilespmem:$0x1A800] =	vst v63  }
0x1d: {  	_ =	swait.ge [sflag:s11], $0x2800  }
0x1e: {  	s15 =	simm.s32 $0x200;
	[sflag:s11] =	ssyncset.done $0x0  }
.LBB2_2:
0x1f: {  	s16 =	sshra.s32 s15, $0x2;
	[sflag:s11] =	ssyncadd.s32 $0xFFFFD800;
	p0 =	sne.s32 s15, $0xF800  }
0x20: {  	[spmem:s1] =	stream.indirect.scatter.add.f32 [tilespmem:s12], [sflag:$0x1], $0x80, s16, s13, $0xb8;
	[tilespmem:$0x1A800] =	vst v63  }
.Ltmp0:
0x21: {  	_ = 	snop;
	(pc) =	sbr.rel @p0 .LBB2_2-.Ltmp0, $4  }
0x22: {  	_ = 	snop  }
0x23: {  	s15 =	sadd.s32 $0x200, s15  }
0x24: {  	_ =	swait.ge [sflag:s11], $0x2800  }
0x25: {  	[sflag:s11] =	ssyncset.done $0x0  }
0x26: {  	s14 =	sadd.s32 $0x1, s14  }
0x27: {  	[sflag:s11] =	ssyncadd.s32 $0xFFFFD800;
	p0 =	sne.s32 s14, s9  }
.Ltmp1:
0x28: {  	[bflag:$0x0] =	sbarrier.arrive $0xFFFF;
	(pc) =	sbr.rel @p0 .LBB2_1-.Ltmp1, $4  }
0x29: {  	[hbm:s8], [sflag:s6] =	dma.local [spmem:s10], $0x2800  }
0x2a: {  	_ =	swait.ge [sflag:s11], $0x2800  }
0x2b: {  	[sflag:s11] =	ssyncset.done $0x0  }
0x2c: {  	[sflag:s11] =	ssyncadd.s32 $0xFFFFD800  }
0x2d: {  	_ =	sfence.sel $0x180000  }
0x2e: {  	[bflag:$0x0] =	sbarrier.arrive $0xFFFF  }
0x2f: {  	p0 =	sne.s32 s2, $0x0;
	_ =	strace $0x90000047  }
0x30: {  	s0 =	sadd.s32 @!p0 $0x100000, s0;
	[bflag:$0x2] =	sbarrier.arrive $0xFFFF  }
0x31: {  	[sflag:s0] =	ssyncadd.tile.s32 @!p0 $0x1;
	_ =	shalt  }
.Lfunc_end2:
_tile_overlayer_lowered:
.L_overlay_start_2:
0x32: {  	(tag) =	ssettag $0x2  }
0x33: {  	s0 =	rddreg [dreg:$0x0];
	s2 =	stileid.u32  }
0x34: {  	s1 =	rddreg [dreg:$0x1];
	p0 =	sne.s32 s2, $0x0  }
0x35: {  	s3 =	rddreg [dreg:$0x2];
	[bflag:$0x3] =	sbarrier.arrive $0xFFFF;
	s2 =	simm.s32 @!p0 $0x1C01  }
0x36: {  	[timem:s3], [sflag:s2] =	dma.local @!p0 [hbm:s0], s1  }
0x37: {  	s0 =	simm.s32 @!p0 $0x1  }
0x38: {  	_ =	swait.ge @!p0 [sflag:s0], s1  }
0x39: {  	s1 =	ssub.s32 @!p0 $0x0, s1;
	[sflag:s0] =	ssyncset.done @!p0 $0x0  }
0x3a: {  	[sflag:s0] =	ssyncadd.s32 @!p0 s1  }
0x3b: {  	[bflag:$0x3] =	sbarrier.arrive $0xFFFF  }
0x3c: {  	_ =	shalt  }

</sc_bundles>
